<compile_context>
chip_gen: v7x
topology: tpu7x:2x2x1
jax: 0.10.2.dev20260603
libtpu: 0.0.44.dev20260713+nightly
codegen_flags: <defaults>
</compile_context>

<pallas_src>
import functools

import jax
import jax.numpy as jnp
from jax import lax
from jax.experimental import pallas as pl
from jax.experimental.pallas import tpu as pltpu
from jax.experimental.pallas import tpu_sc as plsc

_NC = 2
_NS = 16
_NW = _NC * _NS
_L = 16


def kernel(h, edge_index):
    n_nodes, d_feat = h.shape
    n_edges = edge_index.shape[1]
    src = edge_index[0].astype(jnp.int32)
    dst = edge_index[1].astype(jnp.int32)
    d_words = d_feat // 2
    h_packed = lax.bitcast_convert_type(
        h.astype(jnp.bfloat16).reshape(n_nodes, d_words, 2), jnp.int32)

    e_per = n_edges // _NW
    chunk = 224
    n_full = e_per // chunk
    tail = e_per - n_full * chunk

    mesh = plsc.VectorSubcoreMesh(core_axis_name="c", subcore_axis_name="s")

    @functools.partial(
        pl.kernel,
        out_type=jax.ShapeDtypeStruct((n_edges,), jnp.float32),
        mesh=mesh,
        scratch_types=[
            pltpu.VMEM((e_per,), jnp.int32),
            pltpu.VMEM((e_per,), jnp.int32),
            pltpu.VMEM((chunk, d_words), jnp.int32),
            pltpu.VMEM((chunk, d_words), jnp.int32),
            pltpu.VMEM((chunk, d_words), jnp.int32),
            pltpu.VMEM((chunk, d_words), jnp.int32),
            pltpu.VMEM((e_per,), jnp.float32),
            pltpu.VMEM_SHARED((n_nodes, d_words), jnp.int32),
            pltpu.SemaphoreType.DMA,
            pltpu.SemaphoreType.DMA,
            pltpu.SemaphoreType.DMA,
            pltpu.SemaphoreType.DMA,
        ],
        compiler_params=pltpu.CompilerParams(
            needs_layout_passes=False, use_tc_tiling_on_sc=False),
    )
    def sc_kernel(h_hbm, src_hbm, dst_hbm, out_hbm,
                  src_v, dst_v, sbuf0, dbuf0, sbuf1, dbuf1, sco, h_spmem,
                  sem_s0, sem_d0, sem_s1, sem_d1):
        sid = lax.axis_index("s")
        wid = sid * _NC + lax.axis_index("c")
        base = wid * e_per
        cp_si = pltpu.async_copy(src_hbm.at[pl.ds(base, e_per)], src_v, sem_s0)
        cp_di = pltpu.async_copy(dst_hbm.at[pl.ds(base, e_per)], dst_v, sem_d0)

        rows_per_sub = n_nodes // _NS
        pltpu.sync_copy(h_hbm.at[pl.ds(sid * rows_per_sub, rows_per_sub)],
                        h_spmem.at[pl.ds(sid * rows_per_sub, rows_per_sub)])
        cp_si.wait()
        cp_di.wait()
        plsc.subcore_barrier()

        lane = lax.iota(jnp.int32, _L)
        lane_xor = [lane ^ j for j in range(16)]

        def start_gather(c, sbuf, dbuf, sem_s, sem_d, size):
            cs = c * chunk
            pltpu.async_copy(h_spmem.at[src_v.at[pl.ds(cs, size)]],
                             sbuf.at[pl.ds(0, size)], sem_s)
            pltpu.async_copy(h_spmem.at[dst_v.at[pl.ds(cs, size)]],
                             dbuf.at[pl.ds(0, size)], sem_d)

        def wait_gather(sbuf, dbuf, sem_s, sem_d, size):
            pltpu.make_async_copy(h_spmem.at[src_v.at[pl.ds(0, size)]],
                                  sbuf.at[pl.ds(0, size)], sem_s).wait()
            pltpu.make_async_copy(h_spmem.at[dst_v.at[pl.ds(0, size)]],
                                  dbuf.at[pl.ds(0, size)], sem_d).wait()

        def compute(cs, srows, drows, n_groups):
            def group_body(g, carry2):
                rows = lane + g * _L

                def quad(o, accs):
                    acc0, acc1 = accs
                    wbase = o * 16
                    acc_a = None
                    acc_b = None
                    for j in range(16):
                        cols = lane_xor[j] ^ wbase
                        a = plsc.load_gather(srows, [rows, cols])
                        b = plsc.load_gather(drows, [rows, cols])
                        p = (plsc.bitcast(a, jnp.bfloat16)
                             * plsc.bitcast(b, jnp.bfloat16))
                        if j % 2 == 0:
                            acc_a = p if acc_a is None else acc_a + p
                        else:
                            acc_b = p if acc_b is None else acc_b + p
                    lo, hi = plsc.unpack(
                        acc_a + acc_b, format=plsc.PackFormat.INTERLEAVED)
                    acc0 = acc0 + lo
                    acc1 = acc1 + hi
                    return acc0, acc1

                zero = jnp.zeros((_L,), jnp.float32)
                acc0, acc1 = lax.fori_loop(0, d_words // 16, quad, (zero, zero))
                sco[pl.ds(cs + g * _L, _L)] = acc0 + acc1
                return carry2

            lax.fori_loop(0, n_groups, group_body, 0)

        start_gather(0, sbuf0, dbuf0, sem_s0, sem_d0, chunk)

        def pair_body(c2, carry):
            a = 2 * c2
            start_gather(a + 1, sbuf1, dbuf1, sem_s1, sem_d1, chunk)
            wait_gather(sbuf0, dbuf0, sem_s0, sem_d0, chunk)
            compute(a * chunk, sbuf0, dbuf0, chunk // _L)

            @pl.when(a + 2 < n_full)
            def _prefetch_full():
                start_gather(a + 2, sbuf0, dbuf0, sem_s0, sem_d0, chunk)

            @pl.when(a + 2 == n_full)
            def _prefetch_tail():
                start_gather(n_full, sbuf0, dbuf0, sem_s0, sem_d0, tail)

            wait_gather(sbuf1, dbuf1, sem_s1, sem_d1, chunk)
            compute((a + 1) * chunk, sbuf1, dbuf1, chunk // _L)
            return carry

        lax.fori_loop(0, n_full // 2, pair_body, 0)

        done = n_full * chunk
        cp_out = pltpu.async_copy(sco.at[pl.ds(0, done)],
                                  out_hbm.at[pl.ds(base, done)], sem_s1)
        wait_gather(sbuf0, dbuf0, sem_s0, sem_d0, tail)
        compute(done, sbuf0, dbuf0, tail // _L)
        cp_out.wait()
        pltpu.sync_copy(sco.at[pl.ds(done, tail)],
                        out_hbm.at[pl.ds(base + done, tail)])

    return sc_kernel(h_packed, src, dst)

# --- scband reference (transcript-rebuilt; emitter-appended) ---
"""Pipeline reference for scband-dot-predictor-90984587199042 (READ-ONLY COPY).

The authoritative reference and input builder live on the scoring server;
editing this copy changes nothing except your own understanding.
"""

import jax, jax.numpy as jnp
import numpy as np

N_NODES = 10000
D_FEAT = 128
N_EDGES = 320000

def setup_inputs(seed: int = 0) -> dict:
    key = jax.random.key(seed)
    k1, k2 = jax.random.split(key)
    h = jax.random.normal(k1, (N_NODES, D_FEAT), dtype=jnp.float32)
    edge_index = jax.random.randint(k2, (2, N_EDGES), 0, N_NODES, dtype=jnp.int64)
    return {"h": h, "edge_index": edge_index}

def reference(h, edge_index):
    # DGL DotPredictor: for each edge (u, v), score = dot(h[u], h[v])
    # g.apply_edges(fn.u_dot_v('h', 'h', 'score')); return g.edata['score'][:, 0]
    src = edge_index[0]
    dst = edge_index[1]
    h_u = jnp.take(h, src, axis=0)  # gather source node features [E, d]
    h_v = jnp.take(h, dst, axis=0)  # gather dest node features [E, d]
    score = jnp.sum(h_u * h_v, axis=-1)  # [E]
    return score

if __name__ == "__main__":
    import jax
    _d = setup_inputs()
    print(jax.jit(kernel)(*tuple(_d.values())))

</pallas_src>

<mosaic_0001>
#map = affine_map<(d0, d1) -> (0, 0)>
#map1 = affine_map<(d0, d1) -> (0)>
module attributes {stable_mosaic.version = 14 : i64} {
  func.func @sc_kernel(%arg0: i32, %arg1: i32, %arg2: memref<10000x64xi32, #tpu.memory_space<hbm>>, %arg3: memref<320000xi32, #tpu.memory_space<hbm>>, %arg4: memref<320000xi32, #tpu.memory_space<hbm>>, %arg5: memref<320000xf32, #tpu.memory_space<hbm>>, %arg6: memref<10000xi32, #tpu.memory_space<vmem>>, %arg7: memref<10000xi32, #tpu.memory_space<vmem>>, %arg8: memref<224x64xi32, #tpu.memory_space<vmem>>, %arg9: memref<224x64xi32, #tpu.memory_space<vmem>>, %arg10: memref<224x64xi32, #tpu.memory_space<vmem>>, %arg11: memref<224x64xi32, #tpu.memory_space<vmem>>, %arg12: memref<10000xf32, #tpu.memory_space<vmem>>, %arg13: memref<10000x64xi32, #tpu.memory_space<vmem_shared>>, %arg14: memref<!tpu.dma_semaphore, #tpu.memory_space<semaphore_mem>>, %arg15: memref<!tpu.dma_semaphore, #tpu.memory_space<semaphore_mem>>, %arg16: memref<!tpu.dma_semaphore, #tpu.memory_space<semaphore_mem>>, %arg17: memref<!tpu.dma_semaphore, #tpu.memory_space<semaphore_mem>>) attributes {dimension_semantics = [#tpu.dimension_semantics<core_parallel>, #tpu.dimension_semantics<subcore_parallel>], iteration_bounds = array<i64: 2, 16>, scalar_prefetch = 0 : i64, scratch_operands = 12 : i64, tpu.core_type = #tpu.core_type<sc_vector_subcore>, window_params = [{transform_indices = #map}, {transform_indices = #map1}, {transform_indices = #map1}, {transform_indices = #map1}]} {
    %mul3A = arith.constant 2 : i32
    %mul3A_0 = arith.muli %arg1, %mul3A : i32
    %add3A = arith.addi %mul3A_0, %arg0 : i32
    %mul3A_1 = arith.constant 10000 : i32
    %mul3A_2 = arith.muli %add3A, %mul3A_1 : i32
    %dma_start3A = tpu.memref_slice %arg3[%mul3A_2] : memref<320000xi32, #tpu.memory_space<hbm>> -> memref<10000xi32, #tpu.memory_space<hbm>>
    %dma_start3A_3 = tpu.memref_slice %arg3[%mul3A_2] : memref<320000xi32, #tpu.memory_space<hbm>> -> memref<10000xi32, #tpu.memory_space<hbm>>
    tpu.enqueue_dma source(%dma_start3A_3 : memref<10000xi32, #tpu.memory_space<hbm>>) target(%arg6 : memref<10000xi32, #tpu.memory_space<vmem>>) target_semaphore(%arg14 : memref<!tpu.dma_semaphore, #tpu.memory_space<semaphore_mem>>)
    %dma_start3A_4 = tpu.memref_slice %arg4[%mul3A_2] : memref<320000xi32, #tpu.memory_space<hbm>> -> memref<10000xi32, #tpu.memory_space<hbm>>
    %dma_start3A_5 = tpu.memref_slice %arg4[%mul3A_2] : memref<320000xi32, #tpu.memory_space<hbm>> -> memref<10000xi32, #tpu.memory_space<hbm>>
    tpu.enqueue_dma source(%dma_start3A_5 : memref<10000xi32, #tpu.memory_space<hbm>>) target(%arg7 : memref<10000xi32, #tpu.memory_space<vmem>>) target_semaphore(%arg15 : memref<!tpu.dma_semaphore, #tpu.memory_space<semaphore_mem>>)
    %mul3A_6 = arith.constant 625 : i32
    %mul3A_7 = arith.muli %arg1, %mul3A_6 : i32
    %mul3A_8 = arith.constant 625 : i32
    %mul3A_9 = arith.muli %arg1, %mul3A_8 : i32
    "tpu.region"() ({
      %run_scoped3A = tpu.sem_alloc : memref<!tpu.dma_semaphore, #tpu.memory_space<semaphore_mem>>
      %dma_start3A_117 = arith.constant 0 : i32
      %dma_start3A_118 = tpu.memref_slice %arg13[%mul3A_9, %dma_start3A_117] : memref<10000x64xi32, #tpu.memory_space<vmem_shared>> -> memref<625x64xi32, #tpu.memory_space<vmem_shared>>
      %dma_start3A_119 = arith.constant 0 : i32
      %dma_start3A_120 = tpu.memref_slice %arg2[%mul3A_7, %dma_start3A_119] : memref<10000x64xi32, #tpu.memory_space<hbm>> -> memref<625x64xi32, #tpu.memory_space<hbm>>
      tpu.enqueue_dma source(%dma_start3A_120 : memref<625x64xi32, #tpu.memory_space<hbm>>) target(%dma_start3A_118 : memref<625x64xi32, #tpu.memory_space<vmem_shared>>) target_semaphore(%run_scoped3A : memref<!tpu.dma_semaphore, #tpu.memory_space<semaphore_mem>>)
      %dma_wait3A_121 = arith.constant 0 : i32
      %dma_wait3A_122 = tpu.memref_slice %arg13[%mul3A_9, %dma_wait3A_121] : memref<10000x64xi32, #tpu.memory_space<vmem_shared>> -> memref<625x64xi32, #tpu.memory_space<vmem_shared>>
      %dma_wait3A_123 = arith.constant 0 : i32
      %dma_wait3A_124 = tpu.memref_slice %arg2[%mul3A_7, %dma_wait3A_123] : memref<10000x64xi32, #tpu.memory_space<hbm>> -> memref<625x64xi32, #tpu.memory_space<hbm>>
      tpu.wait_dma2 semaphore(%run_scoped3A : memref<!tpu.dma_semaphore, #tpu.memory_space<semaphore_mem>>) src(%dma_wait3A_124 : memref<625x64xi32, #tpu.memory_space<hbm>>) dst(%dma_wait3A_122 : memref<625x64xi32, #tpu.memory_space<vmem_shared>>)
      tpu.yield
    }) : () -> ()
    %dma_wait3A = tpu.memref_slice %arg3[%mul3A_2] : memref<320000xi32, #tpu.memory_space<hbm>> -> memref<10000xi32, #tpu.memory_space<hbm>>
    %dma_wait3A_10 = tpu.memref_slice %arg3[%mul3A_2] : memref<320000xi32, #tpu.memory_space<hbm>> -> memref<10000xi32, #tpu.memory_space<hbm>>
    tpu.wait_dma2 semaphore(%arg14 : memref<!tpu.dma_semaphore, #tpu.memory_space<semaphore_mem>>) src(%dma_wait3A_10 : memref<10000xi32, #tpu.memory_space<hbm>>) dst(%arg6 : memref<10000xi32, #tpu.memory_space<vmem>>)
    %dma_wait3A_11 = tpu.memref_slice %arg4[%mul3A_2] : memref<320000xi32, #tpu.memory_space<hbm>> -> memref<10000xi32, #tpu.memory_space<hbm>>
    %dma_wait3A_12 = tpu.memref_slice %arg4[%mul3A_2] : memref<320000xi32, #tpu.memory_space<hbm>> -> memref<10000xi32, #tpu.memory_space<hbm>>
    tpu.wait_dma2 semaphore(%arg15 : memref<!tpu.dma_semaphore, #tpu.memory_space<semaphore_mem>>) src(%dma_wait3A_12 : memref<10000xi32, #tpu.memory_space<hbm>>) dst(%arg7 : memref<10000xi32, #tpu.memory_space<vmem>>)
    %barrier3A = arith.constant 0 : index
    tpu.barrier barrier_id(%barrier3A)
    %iota3A = tpu.iota {dimensions = array<i32: 0>} : vector<16xi32>
    %xor3A = arith.constant 0 : i32
    %xor3A_13 = vector.broadcast %xor3A : i32 to vector<16xi32>
    %xor3A_14 = arith.xori %iota3A, %xor3A_13 : vector<16xi32>
    %xor3A_15 = arith.constant 1 : i32
    %xor3A_16 = vector.broadcast %xor3A_15 : i32 to vector<16xi32>
    %xor3A_17 = arith.xori %iota3A, %xor3A_16 : vector<16xi32>
    %xor3A_18 = arith.constant 2 : i32
    %xor3A_19 = vector.broadcast %xor3A_18 : i32 to vector<16xi32>
    %xor3A_20 = arith.xori %iota3A, %xor3A_19 : vector<16xi32>
    %xor3A_21 = arith.constant 3 : i32
    %xor3A_22 = vector.broadcast %xor3A_21 : i32 to vector<16xi32>
    %xor3A_23 = arith.xori %iota3A, %xor3A_22 : vector<16xi32>
    %xor3A_24 = arith.constant 4 : i32
    %xor3A_25 = vector.broadcast %xor3A_24 : i32 to vector<16xi32>
    %xor3A_26 = arith.xori %iota3A, %xor3A_25 : vector<16xi32>
    %xor3A_27 = arith.constant 5 : i32
    %xor3A_28 = vector.broadcast %xor3A_27 : i32 to vector<16xi32>
    %xor3A_29 = arith.xori %iota3A, %xor3A_28 : vector<16xi32>
    %xor3A_30 = arith.constant 6 : i32
    %xor3A_31 = vector.broadcast %xor3A_30 : i32 to vector<16xi32>
    %xor3A_32 = arith.xori %iota3A, %xor3A_31 : vector<16xi32>
    %xor3A_33 = arith.constant 7 : i32
    %xor3A_34 = vector.broadcast %xor3A_33 : i32 to vector<16xi32>
    %xor3A_35 = arith.xori %iota3A, %xor3A_34 : vector<16xi32>
    %xor3A_36 = arith.constant 8 : i32
    %xor3A_37 = vector.broadcast %xor3A_36 : i32 to vector<16xi32>
    %xor3A_38 = arith.xori %iota3A, %xor3A_37 : vector<16xi32>
    %xor3A_39 = arith.constant 9 : i32
    %xor3A_40 = vector.broadcast %xor3A_39 : i32 to vector<16xi32>
    %xor3A_41 = arith.xori %iota3A, %xor3A_40 : vector<16xi32>
    %xor3A_42 = arith.constant 10 : i32
    %xor3A_43 = vector.broadcast %xor3A_42 : i32 to vector<16xi32>
    %xor3A_44 = arith.xori %iota3A, %xor3A_43 : vector<16xi32>
    %xor3A_45 = arith.constant 11 : i32
    %xor3A_46 = vector.broadcast %xor3A_45 : i32 to vector<16xi32>
    %xor3A_47 = arith.xori %iota3A, %xor3A_46 : vector<16xi32>
    %xor3A_48 = arith.constant 12 : i32
    %xor3A_49 = vector.broadcast %xor3A_48 : i32 to vector<16xi32>
    %xor3A_50 = arith.xori %iota3A, %xor3A_49 : vector<16xi32>
    %xor3A_51 = arith.constant 13 : i32
    %xor3A_52 = vector.broadcast %xor3A_51 : i32 to vector<16xi32>
    %xor3A_53 = arith.xori %iota3A, %xor3A_52 : vector<16xi32>
    %xor3A_54 = arith.constant 14 : i32
    %xor3A_55 = vector.broadcast %xor3A_54 : i32 to vector<16xi32>
    %xor3A_56 = arith.xori %iota3A, %xor3A_55 : vector<16xi32>
    %xor3A_57 = arith.constant 15 : i32
    %xor3A_58 = vector.broadcast %xor3A_57 : i32 to vector<16xi32>
    %xor3A_59 = arith.xori %iota3A, %xor3A_58 : vector<16xi32>
    %dma_start3A_60 = arith.constant 0 : i32
    %dma_start3A_61 = arith.constant 0 : i32
    %dma_start3A_62 = tpu.memref_slice %arg8[%dma_start3A_60, %dma_start3A_61] : memref<224x64xi32, #tpu.memory_space<vmem>> -> memref<224x64xi32, #tpu.memory_space<vmem>>
    %dma_start3A_63 = arith.constant 0 : i32
    %dma_start3A_64 = tpu.memref_slice %arg6[%dma_start3A_63] : memref<10000xi32, #tpu.memory_space<vmem>> -> memref<224xi32, #tpu.memory_space<vmem>>
    %dma_start3A_65 = arith.constant 0 : i32
    %dma_start3A_66 = arith.constant 0 : i32
    %dma_start3A_67 = tpu.memref_slice %arg13[%dma_start3A_65, %dma_start3A_66] : memref<10000x64xi32, #tpu.memory_space<vmem_shared>> -> memref<10000x64xi32, #tpu.memory_space<vmem_shared>>
    tpu.enqueue_indirect_dma source(%dma_start3A_67 : memref<10000x64xi32, #tpu.memory_space<vmem_shared>>) target(%dma_start3A_62 : memref<224x64xi32, #tpu.memory_space<vmem>>) offsets(%dma_start3A_64 : memref<224xi32, #tpu.memory_space<vmem>>) semaphore(%arg14 : memref<!tpu.dma_semaphore, #tpu.memory_space<semaphore_mem>>)
    %dma_start3A_68 = arith.constant 0 : i32
    %dma_start3A_69 = arith.constant 0 : i32
    %dma_start3A_70 = tpu.memref_slice %arg9[%dma_start3A_68, %dma_start3A_69] : memref<224x64xi32, #tpu.memory_space<vmem>> -> memref<224x64xi32, #tpu.memory_space<vmem>>
    %dma_start3A_71 = arith.constant 0 : i32
    %dma_start3A_72 = tpu.memref_slice %arg7[%dma_start3A_71] : memref<10000xi32, #tpu.memory_space<vmem>> -> memref<224xi32, #tpu.memory_space<vmem>>
    %dma_start3A_73 = arith.constant 0 : i32
    %dma_start3A_74 = arith.constant 0 : i32
    %dma_start3A_75 = tpu.memref_slice %arg13[%dma_start3A_73, %dma_start3A_74] : memref<10000x64xi32, #tpu.memory_space<vmem_shared>> -> memref<10000x64xi32, #tpu.memory_space<vmem_shared>>
    tpu.enqueue_indirect_dma source(%dma_start3A_75 : memref<10000x64xi32, #tpu.memory_space<vmem_shared>>) target(%dma_start3A_70 : memref<224x64xi32, #tpu.memory_space<vmem>>) offsets(%dma_start3A_72 : memref<224xi32, #tpu.memory_space<vmem>>) semaphore(%arg15 : memref<!tpu.dma_semaphore, #tpu.memory_space<semaphore_mem>>)
    %scan3A = arith.constant 0 : i32
    %scan3A_76 = arith.constant 0 : i32
    %scan3A_77 = arith.constant 22 : i32
    %scan3A_78 = arith.addi %scan3A_76, %scan3A_77 : i32
    %scan3A_79 = arith.constant 1 : i32
    scf.for %scan3A_117 = %scan3A_76 to %scan3A_78 step %scan3A_79  : i32 {
      %mul3A_118 = arith.constant 2 : i32
      %mul3A_119 = arith.muli %mul3A_118, %scan3A_117 : i32
      %add3A_120 = arith.constant 1 : i32
      %add3A_121 = arith.addi %mul3A_119, %add3A_120 : i32
      %mul3A_122 = arith.constant 224 : i32
      %mul3A_123 = arith.muli %add3A_121, %mul3A_122 : i32
      %dma_start3A_124 = arith.constant 0 : i32
      %dma_start3A_125 = arith.constant 0 : i32
      %dma_start3A_126 = tpu.memref_slice %arg10[%dma_start3A_124, %dma_start3A_125] : memref<224x64xi32, #tpu.memory_space<vmem>> -> memref<224x64xi32, #tpu.memory_space<vmem>>
      %dma_start3A_127 = tpu.memref_slice %arg6[%mul3A_123] : memref<10000xi32, #tpu.memory_space<vmem>> -> memref<224xi32, #tpu.memory_space<vmem>>
      %dma_start3A_128 = arith.constant 0 : i32
      %dma_start3A_129 = arith.constant 0 : i32
      %dma_start3A_130 = tpu.memref_slice %arg13[%dma_start3A_128, %dma_start3A_129] : memref<10000x64xi32, #tpu.memory_space<vmem_shared>> -> memref<10000x64xi32, #tpu.memory_space<vmem_shared>>
      tpu.enqueue_indirect_dma source(%dma_start3A_130 : memref<10000x64xi32, #tpu.memory_space<vmem_shared>>) target(%dma_start3A_126 : memref<224x64xi32, #tpu.memory_space<vmem>>) offsets(%dma_start3A_127 : memref<224xi32, #tpu.memory_space<vmem>>) semaphore(%arg16 : memref<!tpu.dma_semaphore, #tpu.memory_space<semaphore_mem>>)
      %dma_start3A_131 = arith.constant 0 : i32
      %dma_start3A_132 = arith.constant 0 : i32
      %dma_start3A_133 = tpu.memref_slice %arg11[%dma_start3A_131, %dma_start3A_132] : memref<224x64xi32, #tpu.memory_space<vmem>> -> memref<224x64xi32, #tpu.memory_space<vmem>>
      %dma_start3A_134 = tpu.memref_slice %arg7[%mul3A_123] : memref<10000xi32, #tpu.memory_space<vmem>> -> memref<224xi32, #tpu.memory_space<vmem>>
      %dma_start3A_135 = arith.constant 0 : i32
      %dma_start3A_136 = arith.constant 0 : i32
      %dma_start3A_137 = tpu.memref_slice %arg13[%dma_start3A_135, %dma_start3A_136] : memref<10000x64xi32, #tpu.memory_space<vmem_shared>> -> memref<10000x64xi32, #tpu.memory_space<vmem_shared>>
      tpu.enqueue_indirect_dma source(%dma_start3A_137 : memref<10000x64xi32, #tpu.memory_space<vmem_shared>>) target(%dma_start3A_133 : memref<224x64xi32, #tpu.memory_space<vmem>>) offsets(%dma_start3A_134 : memref<224xi32, #tpu.memory_space<vmem>>) semaphore(%arg17 : memref<!tpu.dma_semaphore, #tpu.memory_space<semaphore_mem>>)
      %dma_wait3A_138 = arith.constant 0 : i32
      %dma_wait3A_139 = arith.constant 0 : i32
      %dma_wait3A_140 = tpu.memref_slice %arg8[%dma_wait3A_138, %dma_wait3A_139] : memref<224x64xi32, #tpu.memory_space<vmem>> -> memref<224x64xi32, #tpu.memory_space<vmem>>
      %dma_wait3A_141 = arith.constant 0 : i32
      %dma_wait3A_142 = tpu.memref_slice %arg6[%dma_wait3A_141] : memref<10000xi32, #tpu.memory_space<vmem>> -> memref<224xi32, #tpu.memory_space<vmem>>
      %dma_wait3A_143 = arith.constant 0 : i32
      %dma_wait3A_144 = arith.constant 0 : i32
      %dma_wait3A_145 = tpu.memref_slice %arg13[%dma_wait3A_143, %dma_wait3A_144] : memref<10000x64xi32, #tpu.memory_space<vmem_shared>> -> memref<10000x64xi32, #tpu.memory_space<vmem_shared>>
      tpu.wait_indirect_dma semaphore(%arg14 : memref<!tpu.dma_semaphore, #tpu.memory_space<semaphore_mem>>) src(%dma_wait3A_145 : memref<10000x64xi32, #tpu.memory_space<vmem_shared>>) dst(%dma_wait3A_140 : memref<224x64xi32, #tpu.memory_space<vmem>>)
      %dma_wait3A_146 = arith.constant 0 : i32
      %dma_wait3A_147 = arith.constant 0 : i32
      %dma_wait3A_148 = tpu.memref_slice %arg9[%dma_wait3A_146, %dma_wait3A_147] : memref<224x64xi32, #tpu.memory_space<vmem>> -> memref<224x64xi32, #tpu.memory_space<vmem>>
      %dma_wait3A_149 = arith.constant 0 : i32
      %dma_wait3A_150 = tpu.memref_slice %arg7[%dma_wait3A_149] : memref<10000xi32, #tpu.memory_space<vmem>> -> memref<224xi32, #tpu.memory_space<vmem>>
      %dma_wait3A_151 = arith.constant 0 : i32
      %dma_wait3A_152 = arith.constant 0 : i32
      %dma_wait3A_153 = tpu.memref_slice %arg13[%dma_wait3A_151, %dma_wait3A_152] : memref<10000x64xi32, #tpu.memory_space<vmem_shared>> -> memref<10000x64xi32, #tpu.memory_space<vmem_shared>>
      tpu.wait_indirect_dma semaphore(%arg15 : memref<!tpu.dma_semaphore, #tpu.memory_space<semaphore_mem>>) src(%dma_wait3A_153 : memref<10000x64xi32, #tpu.memory_space<vmem_shared>>) dst(%dma_wait3A_148 : memref<224x64xi32, #tpu.memory_space<vmem>>)
      %mul3A_154 = arith.constant 224 : i32
      %mul3A_155 = arith.muli %mul3A_119, %mul3A_154 : i32
      %scan3A_156 = arith.constant 0 : i32
      %scan3A_157 = arith.constant 0 : i32
      %scan3A_158 = arith.constant 14 : i32
      %scan3A_159 = arith.addi %scan3A_157, %scan3A_158 : i32
      %scan3A_160 = arith.constant 1 : i32
      scf.for %scan3A_198 = %scan3A_157 to %scan3A_159 step %scan3A_160  : i32 {
        %mul3A_199 = arith.constant 16 : i32
        %mul3A_200 = arith.muli %scan3A_198, %mul3A_199 : i32
        %add3A_201 = vector.broadcast %mul3A_200 : i32 to vector<16xi32>
        %add3A_202 = arith.addi %iota3A, %add3A_201 : vector<16xi32>
        %broadcast_in_dim3A = arith.constant 0.000000e+00 : f32
        %broadcast_in_dim3A_203 = vector.broadcast %broadcast_in_dim3A : f32 to vector<16xf32>
        %scan3A_204 = arith.constant 0 : i32
        %scan3A_205 = arith.constant 4 : i32
        %scan3A_206 = arith.addi %scan3A_204, %scan3A_205 : i32
        %scan3A_207 = arith.constant 1 : i32
        %scan3A_208:2 = scf.for %scan3A_215 = %scan3A_204 to %scan3A_206 step %scan3A_207 iter_args(%scan3A_216 = %broadcast_in_dim3A_203, %scan3A_217 = %broadcast_in_dim3A_203) -> (vector<16xf32>, vector<16xf32>)  : i32 {
          %mul3A_218 = arith.constant 16 : i32
          %mul3A_219 = arith.muli %scan3A_215, %mul3A_218 : i32
          %xor3A_220 = vector.broadcast %mul3A_219 : i32 to vector<16xi32>
          %xor3A_221 = arith.xori %xor3A_14, %xor3A_220 : vector<16xi32>
          %gather3A = tpu.vector_load_idx %arg8[%add3A_202, %xor3A_221] : memref<224x64xi32, #tpu.memory_space<vmem>>[vector<16xi32>, vector<16xi32>], vector<16xi32>,
          %gather3A_222 = tpu.vector_load_idx %arg9[%add3A_202, %xor3A_221] : memref<224x64xi32, #tpu.memory_space<vmem>>[vector<16xi32>, vector<16xi32>], vector<16xi32>,
          %bitcast3A = vector.bitcast %gather3A : vector<16xi32> to vector<32xbf16>
          %bitcast3A_223 = vector.bitcast %gather3A_222 : vector<16xi32> to vector<32xbf16>
          %mul3A_224 = arith.mulf %bitcast3A, %bitcast3A_223 : vector<32xbf16>
          %xor3A_225 = vector.broadcast %mul3A_219 : i32 to vector<16xi32>
          %xor3A_226 = arith.xori %xor3A_17, %xor3A_225 : vector<16xi32>
          %gather3A_227 = tpu.vector_load_idx %arg8[%add3A_202, %xor3A_226] : memref<224x64xi32, #tpu.memory_space<vmem>>[vector<16xi32>, vector<16xi32>], vector<16xi32>,
          %gather3A_228 = tpu.vector_load_idx %arg9[%add3A_202, %xor3A_226] : memref<224x64xi32, #tpu.memory_space<vmem>>[vector<16xi32>, vector<16xi32>], vector<16xi32>,
          %bitcast3A_229 = vector.bitcast %gather3A_227 : vector<16xi32> to vector<32xbf16>
          %bitcast3A_230 = vector.bitcast %gather3A_228 : vector<16xi32> to vector<32xbf16>
          %mul3A_231 = arith.mulf %bitcast3A_229, %bitcast3A_230 : vector<32xbf16>
          %xor3A_232 = vector.broadcast %mul3A_219 : i32 to vector<16xi32>
          %xor3A_233 = arith.xori %xor3A_20, %xor3A_232 : vector<16xi32>
          %gather3A_234 = tpu.vector_load_idx %arg8[%add3A_202, %xor3A_233] : memref<224x64xi32, #tpu.memory_space<vmem>>[vector<16xi32>, vector<16xi32>], vector<16xi32>,
          %gather3A_235 = tpu.vector_load_idx %arg9[%add3A_202, %xor3A_233] : memref<224x64xi32, #tpu.memory_space<vmem>>[vector<16xi32>, vector<16xi32>], vector<16xi32>,
          %bitcast3A_236 = vector.bitcast %gather3A_234 : vector<16xi32> to vector<32xbf16>
          %bitcast3A_237 = vector.bitcast %gather3A_235 : vector<16xi32> to vector<32xbf16>
          %mul3A_238 = arith.mulf %bitcast3A_236, %bitcast3A_237 : vector<32xbf16>
          %add3A_239 = arith.addf %mul3A_224, %mul3A_238 : vector<32xbf16>
          %xor3A_240 = vector.broadcast %mul3A_219 : i32 to vector<16xi32>
          %xor3A_241 = arith.xori %xor3A_23, %xor3A_240 : vector<16xi32>
          %gather3A_242 = tpu.vector_load_idx %arg8[%add3A_202, %xor3A_241] : memref<224x64xi32, #tpu.memory_space<vmem>>[vector<16xi32>, vector<16xi32>], vector<16xi32>,
          %gather3A_243 = tpu.vector_load_idx %arg9[%add3A_202, %xor3A_241] : memref<224x64xi32, #tpu.memory_space<vmem>>[vector<16xi32>, vector<16xi32>], vector<16xi32>,
          %bitcast3A_244 = vector.bitcast %gather3A_242 : vector<16xi32> to vector<32xbf16>
          %bitcast3A_245 = vector.bitcast %gather3A_243 : vector<16xi32> to vector<32xbf16>
          %mul3A_246 = arith.mulf %bitcast3A_244, %bitcast3A_245 : vector<32xbf16>
          %add3A_247 = arith.addf %mul3A_231, %mul3A_246 : vector<32xbf16>
          %xor3A_248 = vector.broadcast %mul3A_219 : i32 to vector<16xi32>
          %xor3A_249 = arith.xori %xor3A_26, %xor3A_248 : vector<16xi32>
          %gather3A_250 = tpu.vector_load_idx %arg8[%add3A_202, %xor3A_249] : memref<224x64xi32, #tpu.memory_space<vmem>>[vector<16xi32>, vector<16xi32>], vector<16xi32>,
          %gather3A_251 = tpu.vector_load_idx %arg9[%add3A_202, %xor3A_249] : memref<224x64xi32, #tpu.memory_space<vmem>>[vector<16xi32>, vector<16xi32>], vector<16xi32>,
          %bitcast3A_252 = vector.bitcast %gather3A_250 : vector<16xi32> to vector<32xbf16>
          %bitcast3A_253 = vector.bitcast %gather3A_251 : vector<16xi32> to vector<32xbf16>
          %mul3A_254 = arith.mulf %bitcast3A_252, %bitcast3A_253 : vector<32xbf16>
          %add3A_255 = arith.addf %add3A_239, %mul3A_254 : vector<32xbf16>
          %xor3A_256 = vector.broadcast %mul3A_219 : i32 to vector<16xi32>
          %xor3A_257 = arith.xori %xor3A_29, %xor3A_256 : vector<16xi32>
          %gather3A_258 = tpu.vector_load_idx %arg8[%add3A_202, %xor3A_257] : memref<224x64xi32, #tpu.memory_space<vmem>>[vector<16xi32>, vector<16xi32>], vector<16xi32>,
          %gather3A_259 = tpu.vector_load_idx %arg9[%add3A_202, %xor3A_257] : memref<224x64xi32, #tpu.memory_space<vmem>>[vector<16xi32>, vector<16xi32>], vector<16xi32>,
          %bitcast3A_260 = vector.bitcast %gather3A_258 : vector<16xi32> to vector<32xbf16>
          %bitcast3A_261 = vector.bitcast %gather3A_259 : vector<16xi32> to vector<32xbf16>
          %mul3A_262 = arith.mulf %bitcast3A_260, %bitcast3A_261 : vector<32xbf16>
          %add3A_263 = arith.addf %add3A_247, %mul3A_262 : vector<32xbf16>
          %xor3A_264 = vector.broadcast %mul3A_219 : i32 to vector<16xi32>
          %xor3A_265 = arith.xori %xor3A_32, %xor3A_264 : vector<16xi32>
          %gather3A_266 = tpu.vector_load_idx %arg8[%add3A_202, %xor3A_265] : memref<224x64xi32, #tpu.memory_space<vmem>>[vector<16xi32>, vector<16xi32>], vector<16xi32>,
          %gather3A_267 = tpu.vector_load_idx %arg9[%add3A_202, %xor3A_265] : memref<224x64xi32, #tpu.memory_space<vmem>>[vector<16xi32>, vector<16xi32>], vector<16xi32>,
          %bitcast3A_268 = vector.bitcast %gather3A_266 : vector<16xi32> to vector<32xbf16>
          %bitcast3A_269 = vector.bitcast %gather3A_267 : vector<16xi32> to vector<32xbf16>
          %mul3A_270 = arith.mulf %bitcast3A_268, %bitcast3A_269 : vector<32xbf16>
          %add3A_271 = arith.addf %add3A_255, %mul3A_270 : vector<32xbf16>
          %xor3A_272 = vector.broadcast %mul3A_219 : i32 to vector<16xi32>
          %xor3A_273 = arith.xori %xor3A_35, %xor3A_272 : vector<16xi32>
          %gather3A_274 = tpu.vector_load_idx %arg8[%add3A_202, %xor3A_273] : memref<224x64xi32, #tpu.memory_space<vmem>>[vector<16xi32>, vector<16xi32>], vector<16xi32>,
          %gather3A_275 = tpu.vector_load_idx %arg9[%add3A_202, %xor3A_273] : memref<224x64xi32, #tpu.memory_space<vmem>>[vector<16xi32>, vector<16xi32>], vector<16xi32>,
          %bitcast3A_276 = vector.bitcast %gather3A_274 : vector<16xi32> to vector<32xbf16>
          %bitcast3A_277 = vector.bitcast %gather3A_275 : vector<16xi32> to vector<32xbf16>
          %mul3A_278 = arith.mulf %bitcast3A_276, %bitcast3A_277 : vector<32xbf16>
          %add3A_279 = arith.addf %add3A_263, %mul3A_278 : vector<32xbf16>
          %xor3A_280 = vector.broadcast %mul3A_219 : i32 to vector<16xi32>
          %xor3A_281 = arith.xori %xor3A_38, %xor3A_280 : vector<16xi32>
          %gather3A_282 = tpu.vector_load_idx %arg8[%add3A_202, %xor3A_281] : memref<224x64xi32, #tpu.memory_space<vmem>>[vector<16xi32>, vector<16xi32>], vector<16xi32>,
          %gather3A_283 = tpu.vector_load_idx %arg9[%add3A_202, %xor3A_281] : memref<224x64xi32, #tpu.memory_space<vmem>>[vector<16xi32>, vector<16xi32>], vector<16xi32>,
          %bitcast3A_284 = vector.bitcast %gather3A_282 : vector<16xi32> to vector<32xbf16>
          %bitcast3A_285 = vector.bitcast %gather3A_283 : vector<16xi32> to vector<32xbf16>
          %mul3A_286 = arith.mulf %bitcast3A_284, %bitcast3A_285 : vector<32xbf16>
          %add3A_287 = arith.addf %add3A_271, %mul3A_286 : vector<32xbf16>
          %xor3A_288 = vector.broadcast %mul3A_219 : i32 to vector<16xi32>
          %xor3A_289 = arith.xori %xor3A_41, %xor3A_288 : vector<16xi32>
          %gather3A_290 = tpu.vector_load_idx %arg8[%add3A_202, %xor3A_289] : memref<224x64xi32, #tpu.memory_space<vmem>>[vector<16xi32>, vector<16xi32>], vector<16xi32>,
          %gather3A_291 = tpu.vector_load_idx %arg9[%add3A_202, %xor3A_289] : memref<224x64xi32, #tpu.memory_space<vmem>>[vector<16xi32>, vector<16xi32>], vector<16xi32>,
          %bitcast3A_292 = vector.bitcast %gather3A_290 : vector<16xi32> to vector<32xbf16>
          %bitcast3A_293 = vector.bitcast %gather3A_291 : vector<16xi32> to vector<32xbf16>
          %mul3A_294 = arith.mulf %bitcast3A_292, %bitcast3A_293 : vector<32xbf16>
          %add3A_295 = arith.addf %add3A_279, %mul3A_294 : vector<32xbf16>
          %xor3A_296 = vector.broadcast %mul3A_219 : i32 to vector<16xi32>
          %xor3A_297 = arith.xori %xor3A_44, %xor3A_296 : vector<16xi32>
          %gather3A_298 = tpu.vector_load_idx %arg8[%add3A_202, %xor3A_297] : memref<224x64xi32, #tpu.memory_space<vmem>>[vector<16xi32>, vector<16xi32>], vector<16xi32>,
          %gather3A_299 = tpu.vector_load_idx %arg9[%add3A_202, %xor3A_297] : memref<224x64xi32, #tpu.memory_space<vmem>>[vector<16xi32>, vector<16xi32>], vector<16xi32>,
          %bitcast3A_300 = vector.bitcast %gather3A_298 : vector<16xi32> to vector<32xbf16>
          %bitcast3A_301 = vector.bitcast %gather3A_299 : vector<16xi32> to vector<32xbf16>
          %mul3A_302 = arith.mulf %bitcast3A_300, %bitcast3A_301 : vector<32xbf16>
          %add3A_303 = arith.addf %add3A_287, %mul3A_302 : vector<32xbf16>
          %xor3A_304 = vector.broadcast %mul3A_219 : i32 to vector<16xi32>
          %xor3A_305 = arith.xori %xor3A_47, %xor3A_304 : vector<16xi32>
          %gather3A_306 = tpu.vector_load_idx %arg8[%add3A_202, %xor3A_305] : memref<224x64xi32, #tpu.memory_space<vmem>>[vector<16xi32>, vector<16xi32>], vector<16xi32>,
          %gather3A_307 = tpu.vector_load_idx %arg9[%add3A_202, %xor3A_305] : memref<224x64xi32, #tpu.memory_space<vmem>>[vector<16xi32>, vector<16xi32>], vector<16xi32>,
          %bitcast3A_308 = vector.bitcast %gather3A_306 : vector<16xi32> to vector<32xbf16>
          %bitcast3A_309 = vector.bitcast %gather3A_307 : vector<16xi32> to vector<32xbf16>
          %mul3A_310 = arith.mulf %bitcast3A_308, %bitcast3A_309 : vector<32xbf16>
          %add3A_311 = arith.addf %add3A_295, %mul3A_310 : vector<32xbf16>
          %xor3A_312 = vector.broadcast %mul3A_219 : i32 to vector<16xi32>
          %xor3A_313 = arith.xori %xor3A_50, %xor3A_312 : vector<16xi32>
          %gather3A_314 = tpu.vector_load_idx %arg8[%add3A_202, %xor3A_313] : memref<224x64xi32, #tpu.memory_space<vmem>>[vector<16xi32>, vector<16xi32>], vector<16xi32>,
          %gather3A_315 = tpu.vector_load_idx %arg9[%add3A_202, %xor3A_313] : memref<224x64xi32, #tpu.memory_space<vmem>>[vector<16xi32>, vector<16xi32>], vector<16xi32>,
          %bitcast3A_316 = vector.bitcast %gather3A_314 : vector<16xi32> to vector<32xbf16>
          %bitcast3A_317 = vector.bitcast %gather3A_315 : vector<16xi32> to vector<32xbf16>
          %mul3A_318 = arith.mulf %bitcast3A_316, %bitcast3A_317 : vector<32xbf16>
          %add3A_319 = arith.addf %add3A_303, %mul3A_318 : vector<32xbf16>
          %xor3A_320 = vector.broadcast %mul3A_219 : i32 to vector<16xi32>
          %xor3A_321 = arith.xori %xor3A_53, %xor3A_320 : vector<16xi32>
          %gather3A_322 = tpu.vector_load_idx %arg8[%add3A_202, %xor3A_321] : memref<224x64xi32, #tpu.memory_space<vmem>>[vector<16xi32>, vector<16xi32>], vector<16xi32>,
          %gather3A_323 = tpu.vector_load_idx %arg9[%add3A_202, %xor3A_321] : memref<224x64xi32, #tpu.memory_space<vmem>>[vector<16xi32>, vector<16xi32>], vector<16xi32>,
          %bitcast3A_324 = vector.bitcast %gather3A_322 : vector<16xi32> to vector<32xbf16>
          %bitcast3A_325 = vector.bitcast %gather3A_323 : vector<16xi32> to vector<32xbf16>
          %mul3A_326 = arith.mulf %bitcast3A_324, %bitcast3A_325 : vector<32xbf16>
          %add3A_327 = arith.addf %add3A_311, %mul3A_326 : vector<32xbf16>
          %xor3A_328 = vector.broadcast %mul3A_219 : i32 to vector<16xi32>
          %xor3A_329 = arith.xori %xor3A_56, %xor3A_328 : vector<16xi32>
          %gather3A_330 = tpu.vector_load_idx %arg8[%add3A_202, %xor3A_329] : memref<224x64xi32, #tpu.memory_space<vmem>>[vector<16xi32>, vector<16xi32>], vector<16xi32>,
          %gather3A_331 = tpu.vector_load_idx %arg9[%add3A_202, %xor3A_329] : memref<224x64xi32, #tpu.memory_space<vmem>>[vector<16xi32>, vector<16xi32>], vector<16xi32>,
          %bitcast3A_332 = vector.bitcast %gather3A_330 : vector<16xi32> to vector<32xbf16>
          %bitcast3A_333 = vector.bitcast %gather3A_331 : vector<16xi32> to vector<32xbf16>
          %mul3A_334 = arith.mulf %bitcast3A_332, %bitcast3A_333 : vector<32xbf16>
          %add3A_335 = arith.addf %add3A_319, %mul3A_334 : vector<32xbf16>
          %xor3A_336 = vector.broadcast %mul3A_219 : i32 to vector<16xi32>
          %xor3A_337 = arith.xori %xor3A_59, %xor3A_336 : vector<16xi32>
          %gather3A_338 = tpu.vector_load_idx %arg8[%add3A_202, %xor3A_337] : memref<224x64xi32, #tpu.memory_space<vmem>>[vector<16xi32>, vector<16xi32>], vector<16xi32>,
          %gather3A_339 = tpu.vector_load_idx %arg9[%add3A_202, %xor3A_337] : memref<224x64xi32, #tpu.memory_space<vmem>>[vector<16xi32>, vector<16xi32>], vector<16xi32>,
          %bitcast3A_340 = vector.bitcast %gather3A_338 : vector<16xi32> to vector<32xbf16>
          %bitcast3A_341 = vector.bitcast %gather3A_339 : vector<16xi32> to vector<32xbf16>
          %mul3A_342 = arith.mulf %bitcast3A_340, %bitcast3A_341 : vector<32xbf16>
          %add3A_343 = arith.addf %add3A_327, %mul3A_342 : vector<32xbf16>
          %add3A_344 = arith.addf %add3A_335, %add3A_343 : vector<32xbf16>
          %unpack3A = tpu.unpack_subelements %add3A_344, 0 {pack_format = #tpu.pack_format<interleaved>} : vector<32xbf16> -> vector<16xf32>
          %unpack3A_345 = tpu.unpack_subelements %add3A_344, 1 {pack_format = #tpu.pack_format<interleaved>} : vector<32xbf16> -> vector<16xf32>
          %add3A_346 = arith.addf %scan3A_216, %unpack3A : vector<16xf32>
          %add3A_347 = arith.addf %scan3A_217, %unpack3A_345 : vector<16xf32>
          scf.yield %add3A_346, %add3A_347 : vector<16xf32>, vector<16xf32>
        }
        %scan3A_209 = arith.constant 4 : i32
        %add3A_210 = arith.addf %scan3A_208#0, %scan3A_208#1 : vector<16xf32>
        %mul3A_211 = arith.constant 16 : i32
        %mul3A_212 = arith.muli %scan3A_198, %mul3A_211 : i32
        %add3A_213 = arith.addi %mul3A_155, %mul3A_212 : i32
        %swap3A = arith.index_cast %add3A_213 : i32 to index
        %swap3A_214 = tpu.vector_load %arg12[%swap3A] {strides = array<i32>} : memref<10000xf32, #tpu.memory_space<vmem>>, vector<16xf32>,
        tpu.vector_store %arg12[%swap3A], %add3A_210 {strides = array<i32>} : memref<10000xf32, #tpu.memory_space<vmem>>, vector<16xf32>,
      }
      %scan3A_161 = arith.constant 14 : i32
      %add3A_162 = arith.constant 2 : i32
      %add3A_163 = arith.addi %mul3A_119, %add3A_162 : i32
      %lt3A = arith.constant 44 : i32
      %lt3A_164 = arith.cmpi slt, %add3A_163, %lt3A : i32
      %convert_element_type3A = arith.extui %lt3A_164 : i1 to i32
      %cond3A = arith.constant 0 : i32
      %cond3A_165 = arith.cmpi ne, %convert_element_type3A, %cond3A : i32
      scf.if %cond3A_165 {
        %add3A_198 = arith.constant 2 : i32
        %add3A_199 = arith.addi %mul3A_119, %add3A_198 : i32
        %mul3A_200 = arith.constant 224 : i32
        %mul3A_201 = arith.muli %add3A_199, %mul3A_200 : i32
        %dma_start3A_202 = arith.constant 0 : i32
        %dma_start3A_203 = arith.constant 0 : i32
        %dma_start3A_204 = tpu.memref_slice %arg8[%dma_start3A_202, %dma_start3A_203] : memref<224x64xi32, #tpu.memory_space<vmem>> -> memref<224x64xi32, #tpu.memory_space<vmem>>
        %dma_start3A_205 = tpu.memref_slice %arg6[%mul3A_201] : memref<10000xi32, #tpu.memory_space<vmem>> -> memref<224xi32, #tpu.memory_space<vmem>>
        %dma_start3A_206 = arith.constant 0 : i32
        %dma_start3A_207 = arith.constant 0 : i32
        %dma_start3A_208 = tpu.memref_slice %arg13[%dma_start3A_206, %dma_start3A_207] : memref<10000x64xi32, #tpu.memory_space<vmem_shared>> -> memref<10000x64xi32, #tpu.memory_space<vmem_shared>>
        tpu.enqueue_indirect_dma source(%dma_start3A_208 : memref<10000x64xi32, #tpu.memory_space<vmem_shared>>) target(%dma_start3A_204 : memref<224x64xi32, #tpu.memory_space<vmem>>) offsets(%dma_start3A_205 : memref<224xi32, #tpu.memory_space<vmem>>) semaphore(%arg14 : memref<!tpu.dma_semaphore, #tpu.memory_space<semaphore_mem>>)
        %dma_start3A_209 = arith.constant 0 : i32
        %dma_start3A_210 = arith.constant 0 : i32
        %dma_start3A_211 = tpu.memref_slice %arg9[%dma_start3A_209, %dma_start3A_210] : memref<224x64xi32, #tpu.memory_space<vmem>> -> memref<224x64xi32, #tpu.memory_space<vmem>>
        %dma_start3A_212 = tpu.memref_slice %arg7[%mul3A_201] : memref<10000xi32, #tpu.memory_space<vmem>> -> memref<224xi32, #tpu.memory_space<vmem>>
        %dma_start3A_213 = arith.constant 0 : i32
        %dma_start3A_214 = arith.constant 0 : i32
        %dma_start3A_215 = tpu.memref_slice %arg13[%dma_start3A_213, %dma_start3A_214] : memref<10000x64xi32, #tpu.memory_space<vmem_shared>> -> memref<10000x64xi32, #tpu.memory_space<vmem_shared>>
        tpu.enqueue_indirect_dma source(%dma_start3A_215 : memref<10000x64xi32, #tpu.memory_space<vmem_shared>>) target(%dma_start3A_211 : memref<224x64xi32, #tpu.memory_space<vmem>>) offsets(%dma_start3A_212 : memref<224xi32, #tpu.memory_space<vmem>>) semaphore(%arg15 : memref<!tpu.dma_semaphore, #tpu.memory_space<semaphore_mem>>)
      } else {
      }
      %add3A_166 = arith.constant 2 : i32
      %add3A_167 = arith.addi %mul3A_119, %add3A_166 : i32
      %eq3A = arith.constant 44 : i32
      %eq3A_168 = arith.cmpi eq, %add3A_167, %eq3A : i32
      %convert_element_type3A_169 = arith.extui %eq3A_168 : i1 to i32
      %cond3A_170 = arith.constant 0 : i32
      %cond3A_171 = arith.cmpi ne, %convert_element_type3A_169, %cond3A_170 : i32
      scf.if %cond3A_171 {
        %dma_start3A_198 = arith.constant 0 : i32
        %dma_start3A_199 = arith.constant 0 : i32
        %dma_start3A_200 = tpu.memref_slice %arg8[%dma_start3A_198, %dma_start3A_199] : memref<224x64xi32, #tpu.memory_space<vmem>> -> memref<144x64xi32, #tpu.memory_space<vmem>>
        %dma_start3A_201 = arith.constant 9856 : i32
        %dma_start3A_202 = tpu.memref_slice %arg6[%dma_start3A_201] : memref<10000xi32, #tpu.memory_space<vmem>> -> memref<144xi32, #tpu.memory_space<vmem>>
        %dma_start3A_203 = arith.constant 0 : i32
        %dma_start3A_204 = arith.constant 0 : i32
        %dma_start3A_205 = tpu.memref_slice %arg13[%dma_start3A_203, %dma_start3A_204] : memref<10000x64xi32, #tpu.memory_space<vmem_shared>> -> memref<10000x64xi32, #tpu.memory_space<vmem_shared>>
        tpu.enqueue_indirect_dma source(%dma_start3A_205 : memref<10000x64xi32, #tpu.memory_space<vmem_shared>>) target(%dma_start3A_200 : memref<144x64xi32, #tpu.memory_space<vmem>>) offsets(%dma_start3A_202 : memref<144xi32, #tpu.memory_space<vmem>>) semaphore(%arg14 : memref<!tpu.dma_semaphore, #tpu.memory_space<semaphore_mem>>)
        %dma_start3A_206 = arith.constant 0 : i32
        %dma_start3A_207 = arith.constant 0 : i32
        %dma_start3A_208 = tpu.memref_slice %arg9[%dma_start3A_206, %dma_start3A_207] : memref<224x64xi32, #tpu.memory_space<vmem>> -> memref<144x64xi32, #tpu.memory_space<vmem>>
        %dma_start3A_209 = arith.constant 9856 : i32
        %dma_start3A_210 = tpu.memref_slice %arg7[%dma_start3A_209] : memref<10000xi32, #tpu.memory_space<vmem>> -> memref<144xi32, #tpu.memory_space<vmem>>
        %dma_start3A_211 = arith.constant 0 : i32
        %dma_start3A_212 = arith.constant 0 : i32
        %dma_start3A_213 = tpu.memref_slice %arg13[%dma_start3A_211, %dma_start3A_212] : memref<10000x64xi32, #tpu.memory_space<vmem_shared>> -> memref<10000x64xi32, #tpu.memory_space<vmem_shared>>
        tpu.enqueue_indirect_dma source(%dma_start3A_213 : memref<10000x64xi32, #tpu.memory_space<vmem_shared>>) target(%dma_start3A_208 : memref<144x64xi32, #tpu.memory_space<vmem>>) offsets(%dma_start3A_210 : memref<144xi32, #tpu.memory_space<vmem>>) semaphore(%arg15 : memref<!tpu.dma_semaphore, #tpu.memory_space<semaphore_mem>>)
      } else {
      }
      %dma_wait3A_172 = arith.constant 0 : i32
      %dma_wait3A_173 = arith.constant 0 : i32
      %dma_wait3A_174 = tpu.memref_slice %arg10[%dma_wait3A_172, %dma_wait3A_173] : memref<224x64xi32, #tpu.memory_space<vmem>> -> memref<224x64xi32, #tpu.memory_space<vmem>>
      %dma_wait3A_175 = arith.constant 0 : i32
      %dma_wait3A_176 = tpu.memref_slice %arg6[%dma_wait3A_175] : memref<10000xi32, #tpu.memory_space<vmem>> -> memref<224xi32, #tpu.memory_space<vmem>>
      %dma_wait3A_177 = arith.constant 0 : i32
      %dma_wait3A_178 = arith.constant 0 : i32
      %dma_wait3A_179 = tpu.memref_slice %arg13[%dma_wait3A_177, %dma_wait3A_178] : memref<10000x64xi32, #tpu.memory_space<vmem_shared>> -> memref<10000x64xi32, #tpu.memory_space<vmem_shared>>
      tpu.wait_indirect_dma semaphore(%arg16 : memref<!tpu.dma_semaphore, #tpu.memory_space<semaphore_mem>>) src(%dma_wait3A_179 : memref<10000x64xi32, #tpu.memory_space<vmem_shared>>) dst(%dma_wait3A_174 : memref<224x64xi32, #tpu.memory_space<vmem>>)
      %dma_wait3A_180 = arith.constant 0 : i32
      %dma_wait3A_181 = arith.constant 0 : i32
      %dma_wait3A_182 = tpu.memref_slice %arg11[%dma_wait3A_180, %dma_wait3A_181] : memref<224x64xi32, #tpu.memory_space<vmem>> -> memref<224x64xi32, #tpu.memory_space<vmem>>
      %dma_wait3A_183 = arith.constant 0 : i32
      %dma_wait3A_184 = tpu.memref_slice %arg7[%dma_wait3A_183] : memref<10000xi32, #tpu.memory_space<vmem>> -> memref<224xi32, #tpu.memory_space<vmem>>
      %dma_wait3A_185 = arith.constant 0 : i32
      %dma_wait3A_186 = arith.constant 0 : i32
      %dma_wait3A_187 = tpu.memref_slice %arg13[%dma_wait3A_185, %dma_wait3A_186] : memref<10000x64xi32, #tpu.memory_space<vmem_shared>> -> memref<10000x64xi32, #tpu.memory_space<vmem_shared>>
      tpu.wait_indirect_dma semaphore(%arg17 : memref<!tpu.dma_semaphore, #tpu.memory_space<semaphore_mem>>) src(%dma_wait3A_187 : memref<10000x64xi32, #tpu.memory_space<vmem_shared>>) dst(%dma_wait3A_182 : memref<224x64xi32, #tpu.memory_space<vmem>>)
      %add3A_188 = arith.constant 1 : i32
      %add3A_189 = arith.addi %mul3A_119, %add3A_188 : i32
      %mul3A_190 = arith.constant 224 : i32
      %mul3A_191 = arith.muli %add3A_189, %mul3A_190 : i32
      %scan3A_192 = arith.constant 0 : i32
      %scan3A_193 = arith.constant 0 : i32
      %scan3A_194 = arith.constant 14 : i32
      %scan3A_195 = arith.addi %scan3A_193, %scan3A_194 : i32
      %scan3A_196 = arith.constant 1 : i32
      scf.for %scan3A_198 = %scan3A_193 to %scan3A_195 step %scan3A_196  : i32 {
        %mul3A_199 = arith.constant 16 : i32
        %mul3A_200 = arith.muli %scan3A_198, %mul3A_199 : i32
        %add3A_201 = vector.broadcast %mul3A_200 : i32 to vector<16xi32>
        %add3A_202 = arith.addi %iota3A, %add3A_201 : vector<16xi32>
        %broadcast_in_dim3A = arith.constant 0.000000e+00 : f32
        %broadcast_in_dim3A_203 = vector.broadcast %broadcast_in_dim3A : f32 to vector<16xf32>
        %scan3A_204 = arith.constant 0 : i32
        %scan3A_205 = arith.constant 4 : i32
        %scan3A_206 = arith.addi %scan3A_204, %scan3A_205 : i32
        %scan3A_207 = arith.constant 1 : i32
        %scan3A_208:2 = scf.for %scan3A_215 = %scan3A_204 to %scan3A_206 step %scan3A_207 iter_args(%scan3A_216 = %broadcast_in_dim3A_203, %scan3A_217 = %broadcast_in_dim3A_203) -> (vector<16xf32>, vector<16xf32>)  : i32 {
          %mul3A_218 = arith.constant 16 : i32
          %mul3A_219 = arith.muli %scan3A_215, %mul3A_218 : i32
          %xor3A_220 = vector.broadcast %mul3A_219 : i32 to vector<16xi32>
          %xor3A_221 = arith.xori %xor3A_14, %xor3A_220 : vector<16xi32>
          %gather3A = tpu.vector_load_idx %arg10[%add3A_202, %xor3A_221] : memref<224x64xi32, #tpu.memory_space<vmem>>[vector<16xi32>, vector<16xi32>], vector<16xi32>,
          %gather3A_222 = tpu.vector_load_idx %arg11[%add3A_202, %xor3A_221] : memref<224x64xi32, #tpu.memory_space<vmem>>[vector<16xi32>, vector<16xi32>], vector<16xi32>,
          %bitcast3A = vector.bitcast %gather3A : vector<16xi32> to vector<32xbf16>
          %bitcast3A_223 = vector.bitcast %gather3A_222 : vector<16xi32> to vector<32xbf16>
          %mul3A_224 = arith.mulf %bitcast3A, %bitcast3A_223 : vector<32xbf16>
          %xor3A_225 = vector.broadcast %mul3A_219 : i32 to vector<16xi32>
          %xor3A_226 = arith.xori %xor3A_17, %xor3A_225 : vector<16xi32>
          %gather3A_227 = tpu.vector_load_idx %arg10[%add3A_202, %xor3A_226] : memref<224x64xi32, #tpu.memory_space<vmem>>[vector<16xi32>, vector<16xi32>], vector<16xi32>,
          %gather3A_228 = tpu.vector_load_idx %arg11[%add3A_202, %xor3A_226] : memref<224x64xi32, #tpu.memory_space<vmem>>[vector<16xi32>, vector<16xi32>], vector<16xi32>,
          %bitcast3A_229 = vector.bitcast %gather3A_227 : vector<16xi32> to vector<32xbf16>
          %bitcast3A_230 = vector.bitcast %gather3A_228 : vector<16xi32> to vector<32xbf16>
          %mul3A_231 = arith.mulf %bitcast3A_229, %bitcast3A_230 : vector<32xbf16>
          %xor3A_232 = vector.broadcast %mul3A_219 : i32 to vector<16xi32>
          %xor3A_233 = arith.xori %xor3A_20, %xor3A_232 : vector<16xi32>
          %gather3A_234 = tpu.vector_load_idx %arg10[%add3A_202, %xor3A_233] : memref<224x64xi32, #tpu.memory_space<vmem>>[vector<16xi32>, vector<16xi32>], vector<16xi32>,
          %gather3A_235 = tpu.vector_load_idx %arg11[%add3A_202, %xor3A_233] : memref<224x64xi32, #tpu.memory_space<vmem>>[vector<16xi32>, vector<16xi32>], vector<16xi32>,
          %bitcast3A_236 = vector.bitcast %gather3A_234 : vector<16xi32> to vector<32xbf16>
          %bitcast3A_237 = vector.bitcast %gather3A_235 : vector<16xi32> to vector<32xbf16>
          %mul3A_238 = arith.mulf %bitcast3A_236, %bitcast3A_237 : vector<32xbf16>
          %add3A_239 = arith.addf %mul3A_224, %mul3A_238 : vector<32xbf16>
          %xor3A_240 = vector.broadcast %mul3A_219 : i32 to vector<16xi32>
          %xor3A_241 = arith.xori %xor3A_23, %xor3A_240 : vector<16xi32>
          %gather3A_242 = tpu.vector_load_idx %arg10[%add3A_202, %xor3A_241] : memref<224x64xi32, #tpu.memory_space<vmem>>[vector<16xi32>, vector<16xi32>], vector<16xi32>,
          %gather3A_243 = tpu.vector_load_idx %arg11[%add3A_202, %xor3A_241] : memref<224x64xi32, #tpu.memory_space<vmem>>[vector<16xi32>, vector<16xi32>], vector<16xi32>,
          %bitcast3A_244 = vector.bitcast %gather3A_242 : vector<16xi32> to vector<32xbf16>
          %bitcast3A_245 = vector.bitcast %gather3A_243 : vector<16xi32> to vector<32xbf16>
          %mul3A_246 = arith.mulf %bitcast3A_244, %bitcast3A_245 : vector<32xbf16>
          %add3A_247 = arith.addf %mul3A_231, %mul3A_246 : vector<32xbf16>
          %xor3A_248 = vector.broadcast %mul3A_219 : i32 to vector<16xi32>
          %xor3A_249 = arith.xori %xor3A_26, %xor3A_248 : vector<16xi32>
          %gather3A_250 = tpu.vector_load_idx %arg10[%add3A_202, %xor3A_249] : memref<224x64xi32, #tpu.memory_space<vmem>>[vector<16xi32>, vector<16xi32>], vector<16xi32>,
          %gather3A_251 = tpu.vector_load_idx %arg11[%add3A_202, %xor3A_249] : memref<224x64xi32, #tpu.memory_space<vmem>>[vector<16xi32>, vector<16xi32>], vector<16xi32>,
          %bitcast3A_252 = vector.bitcast %gather3A_250 : vector<16xi32> to vector<32xbf16>
          %bitcast3A_253 = vector.bitcast %gather3A_251 : vector<16xi32> to vector<32xbf16>
          %mul3A_254 = arith.mulf %bitcast3A_252, %bitcast3A_253 : vector<32xbf16>
          %add3A_255 = arith.addf %add3A_239, %mul3A_254 : vector<32xbf16>
          %xor3A_256 = vector.broadcast %mul3A_219 : i32 to vector<16xi32>
          %xor3A_257 = arith.xori %xor3A_29, %xor3A_256 : vector<16xi32>
          %gather3A_258 = tpu.vector_load_idx %arg10[%add3A_202, %xor3A_257] : memref<224x64xi32, #tpu.memory_space<vmem>>[vector<16xi32>, vector<16xi32>], vector<16xi32>,
          %gather3A_259 = tpu.vector_load_idx %arg11[%add3A_202, %xor3A_257] : memref<224x64xi32, #tpu.memory_space<vmem>>[vector<16xi32>, vector<16xi32>], vector<16xi32>,
          %bitcast3A_260 = vector.bitcast %gather3A_258 : vector<16xi32> to vector<32xbf16>
          %bitcast3A_261 = vector.bitcast %gather3A_259 : vector<16xi32> to vector<32xbf16>
          %mul3A_262 = arith.mulf %bitcast3A_260, %bitcast3A_261 : vector<32xbf16>
          %add3A_263 = arith.addf %add3A_247, %mul3A_262 : vector<32xbf16>
          %xor3A_264 = vector.broadcast %mul3A_219 : i32 to vector<16xi32>
          %xor3A_265 = arith.xori %xor3A_32, %xor3A_264 : vector<16xi32>
          %gather3A_266 = tpu.vector_load_idx %arg10[%add3A_202, %xor3A_265] : memref<224x64xi32, #tpu.memory_space<vmem>>[vector<16xi32>, vector<16xi32>], vector<16xi32>,
          %gather3A_267 = tpu.vector_load_idx %arg11[%add3A_202, %xor3A_265] : memref<224x64xi32, #tpu.memory_space<vmem>>[vector<16xi32>, vector<16xi32>], vector<16xi32>,
          %bitcast3A_268 = vector.bitcast %gather3A_266 : vector<16xi32> to vector<32xbf16>
          %bitcast3A_269 = vector.bitcast %gather3A_267 : vector<16xi32> to vector<32xbf16>
          %mul3A_270 = arith.mulf %bitcast3A_268, %bitcast3A_269 : vector<32xbf16>
          %add3A_271 = arith.addf %add3A_255, %mul3A_270 : vector<32xbf16>
          %xor3A_272 = vector.broadcast %mul3A_219 : i32 to vector<16xi32>
          %xor3A_273 = arith.xori %xor3A_35, %xor3A_272 : vector<16xi32>
          %gather3A_274 = tpu.vector_load_idx %arg10[%add3A_202, %xor3A_273] : memref<224x64xi32, #tpu.memory_space<vmem>>[vector<16xi32>, vector<16xi32>], vector<16xi32>,
          %gather3A_275 = tpu.vector_load_idx %arg11[%add3A_202, %xor3A_273] : memref<224x64xi32, #tpu.memory_space<vmem>>[vector<16xi32>, vector<16xi32>], vector<16xi32>,
          %bitcast3A_276 = vector.bitcast %gather3A_274 : vector<16xi32> to vector<32xbf16>
          %bitcast3A_277 = vector.bitcast %gather3A_275 : vector<16xi32> to vector<32xbf16>
          %mul3A_278 = arith.mulf %bitcast3A_276, %bitcast3A_277 : vector<32xbf16>
          %add3A_279 = arith.addf %add3A_263, %mul3A_278 : vector<32xbf16>
          %xor3A_280 = vector.broadcast %mul3A_219 : i32 to vector<16xi32>
          %xor3A_281 = arith.xori %xor3A_38, %xor3A_280 : vector<16xi32>
          %gather3A_282 = tpu.vector_load_idx %arg10[%add3A_202, %xor3A_281] : memref<224x64xi32, #tpu.memory_space<vmem>>[vector<16xi32>, vector<16xi32>], vector<16xi32>,
          %gather3A_283 = tpu.vector_load_idx %arg11[%add3A_202, %xor3A_281] : memref<224x64xi32, #tpu.memory_space<vmem>>[vector<16xi32>, vector<16xi32>], vector<16xi32>,
          %bitcast3A_284 = vector.bitcast %gather3A_282 : vector<16xi32> to vector<32xbf16>
          %bitcast3A_285 = vector.bitcast %gather3A_283 : vector<16xi32> to vector<32xbf16>
          %mul3A_286 = arith.mulf %bitcast3A_284, %bitcast3A_285 : vector<32xbf16>
          %add3A_287 = arith.addf %add3A_271, %mul3A_286 : vector<32xbf16>
          %xor3A_288 = vector.broadcast %mul3A_219 : i32 to vector<16xi32>
          %xor3A_289 = arith.xori %xor3A_41, %xor3A_288 : vector<16xi32>
          %gather3A_290 = tpu.vector_load_idx %arg10[%add3A_202, %xor3A_289] : memref<224x64xi32, #tpu.memory_space<vmem>>[vector<16xi32>, vector<16xi32>], vector<16xi32>,
          %gather3A_291 = tpu.vector_load_idx %arg11[%add3A_202, %xor3A_289] : memref<224x64xi32, #tpu.memory_space<vmem>>[vector<16xi32>, vector<16xi32>], vector<16xi32>,
          %bitcast3A_292 = vector.bitcast %gather3A_290 : vector<16xi32> to vector<32xbf16>
          %bitcast3A_293 = vector.bitcast %gather3A_291 : vector<16xi32> to vector<32xbf16>
          %mul3A_294 = arith.mulf %bitcast3A_292, %bitcast3A_293 : vector<32xbf16>
          %add3A_295 = arith.addf %add3A_279, %mul3A_294 : vector<32xbf16>
          %xor3A_296 = vector.broadcast %mul3A_219 : i32 to vector<16xi32>
          %xor3A_297 = arith.xori %xor3A_44, %xor3A_296 : vector<16xi32>
          %gather3A_298 = tpu.vector_load_idx %arg10[%add3A_202, %xor3A_297] : memref<224x64xi32, #tpu.memory_space<vmem>>[vector<16xi32>, vector<16xi32>], vector<16xi32>,
          %gather3A_299 = tpu.vector_load_idx %arg11[%add3A_202, %xor3A_297] : memref<224x64xi32, #tpu.memory_space<vmem>>[vector<16xi32>, vector<16xi32>], vector<16xi32>,
          %bitcast3A_300 = vector.bitcast %gather3A_298 : vector<16xi32> to vector<32xbf16>
          %bitcast3A_301 = vector.bitcast %gather3A_299 : vector<16xi32> to vector<32xbf16>
          %mul3A_302 = arith.mulf %bitcast3A_300, %bitcast3A_301 : vector<32xbf16>
          %add3A_303 = arith.addf %add3A_287, %mul3A_302 : vector<32xbf16>
          %xor3A_304 = vector.broadcast %mul3A_219 : i32 to vector<16xi32>
          %xor3A_305 = arith.xori %xor3A_47, %xor3A_304 : vector<16xi32>
          %gather3A_306 = tpu.vector_load_idx %arg10[%add3A_202, %xor3A_305] : memref<224x64xi32, #tpu.memory_space<vmem>>[vector<16xi32>, vector<16xi32>], vector<16xi32>,
          %gather3A_307 = tpu.vector_load_idx %arg11[%add3A_202, %xor3A_305] : memref<224x64xi32, #tpu.memory_space<vmem>>[vector<16xi32>, vector<16xi32>], vector<16xi32>,
          %bitcast3A_308 = vector.bitcast %gather3A_306 : vector<16xi32> to vector<32xbf16>
          %bitcast3A_309 = vector.bitcast %gather3A_307 : vector<16xi32> to vector<32xbf16>
          %mul3A_310 = arith.mulf %bitcast3A_308, %bitcast3A_309 : vector<32xbf16>
          %add3A_311 = arith.addf %add3A_295, %mul3A_310 : vector<32xbf16>
          %xor3A_312 = vector.broadcast %mul3A_219 : i32 to vector<16xi32>
          %xor3A_313 = arith.xori %xor3A_50, %xor3A_312 : vector<16xi32>
          %gather3A_314 = tpu.vector_load_idx %arg10[%add3A_202, %xor3A_313] : memref<224x64xi32, #tpu.memory_space<vmem>>[vector<16xi32>, vector<16xi32>], vector<16xi32>,
          %gather3A_315 = tpu.vector_load_idx %arg11[%add3A_202, %xor3A_313] : memref<224x64xi32, #tpu.memory_space<vmem>>[vector<16xi32>, vector<16xi32>], vector<16xi32>,
          %bitcast3A_316 = vector.bitcast %gather3A_314 : vector<16xi32> to vector<32xbf16>
          %bitcast3A_317 = vector.bitcast %gather3A_315 : vector<16xi32> to vector<32xbf16>
          %mul3A_318 = arith.mulf %bitcast3A_316, %bitcast3A_317 : vector<32xbf16>
          %add3A_319 = arith.addf %add3A_303, %mul3A_318 : vector<32xbf16>
          %xor3A_320 = vector.broadcast %mul3A_219 : i32 to vector<16xi32>
          %xor3A_321 = arith.xori %xor3A_53, %xor3A_320 : vector<16xi32>
          %gather3A_322 = tpu.vector_load_idx %arg10[%add3A_202, %xor3A_321] : memref<224x64xi32, #tpu.memory_space<vmem>>[vector<16xi32>, vector<16xi32>], vector<16xi32>,
          %gather3A_323 = tpu.vector_load_idx %arg11[%add3A_202, %xor3A_321] : memref<224x64xi32, #tpu.memory_space<vmem>>[vector<16xi32>, vector<16xi32>], vector<16xi32>,
          %bitcast3A_324 = vector.bitcast %gather3A_322 : vector<16xi32> to vector<32xbf16>
          %bitcast3A_325 = vector.bitcast %gather3A_323 : vector<16xi32> to vector<32xbf16>
          %mul3A_326 = arith.mulf %bitcast3A_324, %bitcast3A_325 : vector<32xbf16>
          %add3A_327 = arith.addf %add3A_311, %mul3A_326 : vector<32xbf16>
          %xor3A_328 = vector.broadcast %mul3A_219 : i32 to vector<16xi32>
          %xor3A_329 = arith.xori %xor3A_56, %xor3A_328 : vector<16xi32>
          %gather3A_330 = tpu.vector_load_idx %arg10[%add3A_202, %xor3A_329] : memref<224x64xi32, #tpu.memory_space<vmem>>[vector<16xi32>, vector<16xi32>], vector<16xi32>,
          %gather3A_331 = tpu.vector_load_idx %arg11[%add3A_202, %xor3A_329] : memref<224x64xi32, #tpu.memory_space<vmem>>[vector<16xi32>, vector<16xi32>], vector<16xi32>,
          %bitcast3A_332 = vector.bitcast %gather3A_330 : vector<16xi32> to vector<32xbf16>
          %bitcast3A_333 = vector.bitcast %gather3A_331 : vector<16xi32> to vector<32xbf16>
          %mul3A_334 = arith.mulf %bitcast3A_332, %bitcast3A_333 : vector<32xbf16>
          %add3A_335 = arith.addf %add3A_319, %mul3A_334 : vector<32xbf16>
          %xor3A_336 = vector.broadcast %mul3A_219 : i32 to vector<16xi32>
          %xor3A_337 = arith.xori %xor3A_59, %xor3A_336 : vector<16xi32>
          %gather3A_338 = tpu.vector_load_idx %arg10[%add3A_202, %xor3A_337] : memref<224x64xi32, #tpu.memory_space<vmem>>[vector<16xi32>, vector<16xi32>], vector<16xi32>,
          %gather3A_339 = tpu.vector_load_idx %arg11[%add3A_202, %xor3A_337] : memref<224x64xi32, #tpu.memory_space<vmem>>[vector<16xi32>, vector<16xi32>], vector<16xi32>,
          %bitcast3A_340 = vector.bitcast %gather3A_338 : vector<16xi32> to vector<32xbf16>
          %bitcast3A_341 = vector.bitcast %gather3A_339 : vector<16xi32> to vector<32xbf16>
          %mul3A_342 = arith.mulf %bitcast3A_340, %bitcast3A_341 : vector<32xbf16>
          %add3A_343 = arith.addf %add3A_327, %mul3A_342 : vector<32xbf16>
          %add3A_344 = arith.addf %add3A_335, %add3A_343 : vector<32xbf16>
          %unpack3A = tpu.unpack_subelements %add3A_344, 0 {pack_format = #tpu.pack_format<interleaved>} : vector<32xbf16> -> vector<16xf32>
          %unpack3A_345 = tpu.unpack_subelements %add3A_344, 1 {pack_format = #tpu.pack_format<interleaved>} : vector<32xbf16> -> vector<16xf32>
          %add3A_346 = arith.addf %scan3A_216, %unpack3A : vector<16xf32>
          %add3A_347 = arith.addf %scan3A_217, %unpack3A_345 : vector<16xf32>
          scf.yield %add3A_346, %add3A_347 : vector<16xf32>, vector<16xf32>
        }
        %scan3A_209 = arith.constant 4 : i32
        %add3A_210 = arith.addf %scan3A_208#0, %scan3A_208#1 : vector<16xf32>
        %mul3A_211 = arith.constant 16 : i32
        %mul3A_212 = arith.muli %scan3A_198, %mul3A_211 : i32
        %add3A_213 = arith.addi %mul3A_191, %mul3A_212 : i32
        %swap3A = arith.index_cast %add3A_213 : i32 to index
        %swap3A_214 = tpu.vector_load %arg12[%swap3A] {strides = array<i32>} : memref<10000xf32, #tpu.memory_space<vmem>>, vector<16xf32>,
        tpu.vector_store %arg12[%swap3A], %add3A_210 {strides = array<i32>} : memref<10000xf32, #tpu.memory_space<vmem>>, vector<16xf32>,
      }
      %scan3A_197 = arith.constant 14 : i32
    }
    %scan3A_80 = arith.constant 22 : i32
    %dma_start3A_81 = arith.constant 0 : i32
    %dma_start3A_82 = tpu.memref_slice %arg12[%dma_start3A_81] : memref<10000xf32, #tpu.memory_space<vmem>> -> memref<9856xf32, #tpu.memory_space<vmem>>
    %dma_start3A_83 = tpu.memref_slice %arg5[%mul3A_2] : memref<320000xf32, #tpu.memory_space<hbm>> -> memref<9856xf32, #tpu.memory_space<hbm>>
    %dma_start3A_84 = tpu.memref_slice %arg5[%mul3A_2] : memref<320000xf32, #tpu.memory_space<hbm>> -> memref<9856xf32, #tpu.memory_space<hbm>>
    %dma_start3A_85 = arith.constant 0 : i32
    %dma_start3A_86 = tpu.memref_slice %arg12[%dma_start3A_85] : memref<10000xf32, #tpu.memory_space<vmem>> -> memref<9856xf32, #tpu.memory_space<vmem>>
    tpu.enqueue_dma source(%dma_start3A_86 : memref<9856xf32, #tpu.memory_space<vmem>>) target(%dma_start3A_84 : memref<9856xf32, #tpu.memory_space<hbm>>) target_semaphore(%arg16 : memref<!tpu.dma_semaphore, #tpu.memory_space<semaphore_mem>>)
    %dma_wait3A_87 = arith.constant 0 : i32
    %dma_wait3A_88 = arith.constant 0 : i32
    %dma_wait3A_89 = tpu.memref_slice %arg8[%dma_wait3A_87, %dma_wait3A_88] : memref<224x64xi32, #tpu.memory_space<vmem>> -> memref<144x64xi32, #tpu.memory_space<vmem>>
    %dma_wait3A_90 = arith.constant 0 : i32
    %dma_wait3A_91 = tpu.memref_slice %arg6[%dma_wait3A_90] : memref<10000xi32, #tpu.memory_space<vmem>> -> memref<144xi32, #tpu.memory_space<vmem>>
    %dma_wait3A_92 = arith.constant 0 : i32
    %dma_wait3A_93 = arith.constant 0 : i32
    %dma_wait3A_94 = tpu.memref_slice %arg13[%dma_wait3A_92, %dma_wait3A_93] : memref<10000x64xi32, #tpu.memory_space<vmem_shared>> -> memref<10000x64xi32, #tpu.memory_space<vmem_shared>>
    tpu.wait_indirect_dma semaphore(%arg14 : memref<!tpu.dma_semaphore, #tpu.memory_space<semaphore_mem>>) src(%dma_wait3A_94 : memref<10000x64xi32, #tpu.memory_space<vmem_shared>>) dst(%dma_wait3A_89 : memref<144x64xi32, #tpu.memory_space<vmem>>)
    %dma_wait3A_95 = arith.constant 0 : i32
    %dma_wait3A_96 = arith.constant 0 : i32
    %dma_wait3A_97 = tpu.memref_slice %arg9[%dma_wait3A_95, %dma_wait3A_96] : memref<224x64xi32, #tpu.memory_space<vmem>> -> memref<144x64xi32, #tpu.memory_space<vmem>>
    %dma_wait3A_98 = arith.constant 0 : i32
    %dma_wait3A_99 = tpu.memref_slice %arg7[%dma_wait3A_98] : memref<10000xi32, #tpu.memory_space<vmem>> -> memref<144xi32, #tpu.memory_space<vmem>>
    %dma_wait3A_100 = arith.constant 0 : i32
    %dma_wait3A_101 = arith.constant 0 : i32
    %dma_wait3A_102 = tpu.memref_slice %arg13[%dma_wait3A_100, %dma_wait3A_101] : memref<10000x64xi32, #tpu.memory_space<vmem_shared>> -> memref<10000x64xi32, #tpu.memory_space<vmem_shared>>
    tpu.wait_indirect_dma semaphore(%arg15 : memref<!tpu.dma_semaphore, #tpu.memory_space<semaphore_mem>>) src(%dma_wait3A_102 : memref<10000x64xi32, #tpu.memory_space<vmem_shared>>) dst(%dma_wait3A_97 : memref<144x64xi32, #tpu.memory_space<vmem>>)
    %scan3A_103 = arith.constant 0 : i32
    %scan3A_104 = arith.constant 0 : i32
    %scan3A_105 = arith.constant 9 : i32
    %scan3A_106 = arith.addi %scan3A_104, %scan3A_105 : i32
    %scan3A_107 = arith.constant 1 : i32
    scf.for %scan3A_117 = %scan3A_104 to %scan3A_106 step %scan3A_107  : i32 {
      %mul3A_118 = arith.constant 16 : i32
      %mul3A_119 = arith.muli %scan3A_117, %mul3A_118 : i32
      %add3A_120 = vector.broadcast %mul3A_119 : i32 to vector<16xi32>
      %add3A_121 = arith.addi %iota3A, %add3A_120 : vector<16xi32>
      %broadcast_in_dim3A = arith.constant 0.000000e+00 : f32
      %broadcast_in_dim3A_122 = vector.broadcast %broadcast_in_dim3A : f32 to vector<16xf32>
      %scan3A_123 = arith.constant 0 : i32
      %scan3A_124 = arith.constant 4 : i32
      %scan3A_125 = arith.addi %scan3A_123, %scan3A_124 : i32
      %scan3A_126 = arith.constant 1 : i32
      %scan3A_127:2 = scf.for %scan3A_135 = %scan3A_123 to %scan3A_125 step %scan3A_126 iter_args(%scan3A_136 = %broadcast_in_dim3A_122, %scan3A_137 = %broadcast_in_dim3A_122) -> (vector<16xf32>, vector<16xf32>)  : i32 {
        %mul3A_138 = arith.constant 16 : i32
        %mul3A_139 = arith.muli %scan3A_135, %mul3A_138 : i32
        %xor3A_140 = vector.broadcast %mul3A_139 : i32 to vector<16xi32>
        %xor3A_141 = arith.xori %xor3A_14, %xor3A_140 : vector<16xi32>
        %gather3A = tpu.vector_load_idx %arg8[%add3A_121, %xor3A_141] : memref<224x64xi32, #tpu.memory_space<vmem>>[vector<16xi32>, vector<16xi32>], vector<16xi32>,
        %gather3A_142 = tpu.vector_load_idx %arg9[%add3A_121, %xor3A_141] : memref<224x64xi32, #tpu.memory_space<vmem>>[vector<16xi32>, vector<16xi32>], vector<16xi32>,
        %bitcast3A = vector.bitcast %gather3A : vector<16xi32> to vector<32xbf16>
        %bitcast3A_143 = vector.bitcast %gather3A_142 : vector<16xi32> to vector<32xbf16>
        %mul3A_144 = arith.mulf %bitcast3A, %bitcast3A_143 : vector<32xbf16>
        %xor3A_145 = vector.broadcast %mul3A_139 : i32 to vector<16xi32>
        %xor3A_146 = arith.xori %xor3A_17, %xor3A_145 : vector<16xi32>
        %gather3A_147 = tpu.vector_load_idx %arg8[%add3A_121, %xor3A_146] : memref<224x64xi32, #tpu.memory_space<vmem>>[vector<16xi32>, vector<16xi32>], vector<16xi32>,
        %gather3A_148 = tpu.vector_load_idx %arg9[%add3A_121, %xor3A_146] : memref<224x64xi32, #tpu.memory_space<vmem>>[vector<16xi32>, vector<16xi32>], vector<16xi32>,
        %bitcast3A_149 = vector.bitcast %gather3A_147 : vector<16xi32> to vector<32xbf16>
        %bitcast3A_150 = vector.bitcast %gather3A_148 : vector<16xi32> to vector<32xbf16>
        %mul3A_151 = arith.mulf %bitcast3A_149, %bitcast3A_150 : vector<32xbf16>
        %xor3A_152 = vector.broadcast %mul3A_139 : i32 to vector<16xi32>
        %xor3A_153 = arith.xori %xor3A_20, %xor3A_152 : vector<16xi32>
        %gather3A_154 = tpu.vector_load_idx %arg8[%add3A_121, %xor3A_153] : memref<224x64xi32, #tpu.memory_space<vmem>>[vector<16xi32>, vector<16xi32>], vector<16xi32>,
        %gather3A_155 = tpu.vector_load_idx %arg9[%add3A_121, %xor3A_153] : memref<224x64xi32, #tpu.memory_space<vmem>>[vector<16xi32>, vector<16xi32>], vector<16xi32>,
        %bitcast3A_156 = vector.bitcast %gather3A_154 : vector<16xi32> to vector<32xbf16>
        %bitcast3A_157 = vector.bitcast %gather3A_155 : vector<16xi32> to vector<32xbf16>
        %mul3A_158 = arith.mulf %bitcast3A_156, %bitcast3A_157 : vector<32xbf16>
        %add3A_159 = arith.addf %mul3A_144, %mul3A_158 : vector<32xbf16>
        %xor3A_160 = vector.broadcast %mul3A_139 : i32 to vector<16xi32>
        %xor3A_161 = arith.xori %xor3A_23, %xor3A_160 : vector<16xi32>
        %gather3A_162 = tpu.vector_load_idx %arg8[%add3A_121, %xor3A_161] : memref<224x64xi32, #tpu.memory_space<vmem>>[vector<16xi32>, vector<16xi32>], vector<16xi32>,
        %gather3A_163 = tpu.vector_load_idx %arg9[%add3A_121, %xor3A_161] : memref<224x64xi32, #tpu.memory_space<vmem>>[vector<16xi32>, vector<16xi32>], vector<16xi32>,
        %bitcast3A_164 = vector.bitcast %gather3A_162 : vector<16xi32> to vector<32xbf16>
        %bitcast3A_165 = vector.bitcast %gather3A_163 : vector<16xi32> to vector<32xbf16>
        %mul3A_166 = arith.mulf %bitcast3A_164, %bitcast3A_165 : vector<32xbf16>
        %add3A_167 = arith.addf %mul3A_151, %mul3A_166 : vector<32xbf16>
        %xor3A_168 = vector.broadcast %mul3A_139 : i32 to vector<16xi32>
        %xor3A_169 = arith.xori %xor3A_26, %xor3A_168 : vector<16xi32>
        %gather3A_170 = tpu.vector_load_idx %arg8[%add3A_121, %xor3A_169] : memref<224x64xi32, #tpu.memory_space<vmem>>[vector<16xi32>, vector<16xi32>], vector<16xi32>,
        %gather3A_171 = tpu.vector_load_idx %arg9[%add3A_121, %xor3A_169] : memref<224x64xi32, #tpu.memory_space<vmem>>[vector<16xi32>, vector<16xi32>], vector<16xi32>,
        %bitcast3A_172 = vector.bitcast %gather3A_170 : vector<16xi32> to vector<32xbf16>
        %bitcast3A_173 = vector.bitcast %gather3A_171 : vector<16xi32> to vector<32xbf16>
        %mul3A_174 = arith.mulf %bitcast3A_172, %bitcast3A_173 : vector<32xbf16>
        %add3A_175 = arith.addf %add3A_159, %mul3A_174 : vector<32xbf16>
        %xor3A_176 = vector.broadcast %mul3A_139 : i32 to vector<16xi32>
        %xor3A_177 = arith.xori %xor3A_29, %xor3A_176 : vector<16xi32>
        %gather3A_178 = tpu.vector_load_idx %arg8[%add3A_121, %xor3A_177] : memref<224x64xi32, #tpu.memory_space<vmem>>[vector<16xi32>, vector<16xi32>], vector<16xi32>,
        %gather3A_179 = tpu.vector_load_idx %arg9[%add3A_121, %xor3A_177] : memref<224x64xi32, #tpu.memory_space<vmem>>[vector<16xi32>, vector<16xi32>], vector<16xi32>,
        %bitcast3A_180 = vector.bitcast %gather3A_178 : vector<16xi32> to vector<32xbf16>
        %bitcast3A_181 = vector.bitcast %gather3A_179 : vector<16xi32> to vector<32xbf16>
        %mul3A_182 = arith.mulf %bitcast3A_180, %bitcast3A_181 : vector<32xbf16>
        %add3A_183 = arith.addf %add3A_167, %mul3A_182 : vector<32xbf16>
        %xor3A_184 = vector.broadcast %mul3A_139 : i32 to vector<16xi32>
        %xor3A_185 = arith.xori %xor3A_32, %xor3A_184 : vector<16xi32>
        %gather3A_186 = tpu.vector_load_idx %arg8[%add3A_121, %xor3A_185] : memref<224x64xi32, #tpu.memory_space<vmem>>[vector<16xi32>, vector<16xi32>], vector<16xi32>,
        %gather3A_187 = tpu.vector_load_idx %arg9[%add3A_121, %xor3A_185] : memref<224x64xi32, #tpu.memory_space<vmem>>[vector<16xi32>, vector<16xi32>], vector<16xi32>,
        %bitcast3A_188 = vector.bitcast %gather3A_186 : vector<16xi32> to vector<32xbf16>
        %bitcast3A_189 = vector.bitcast %gather3A_187 : vector<16xi32> to vector<32xbf16>
        %mul3A_190 = arith.mulf %bitcast3A_188, %bitcast3A_189 : vector<32xbf16>
        %add3A_191 = arith.addf %add3A_175, %mul3A_190 : vector<32xbf16>
        %xor3A_192 = vector.broadcast %mul3A_139 : i32 to vector<16xi32>
        %xor3A_193 = arith.xori %xor3A_35, %xor3A_192 : vector<16xi32>
        %gather3A_194 = tpu.vector_load_idx %arg8[%add3A_121, %xor3A_193] : memref<224x64xi32, #tpu.memory_space<vmem>>[vector<16xi32>, vector<16xi32>], vector<16xi32>,
        %gather3A_195 = tpu.vector_load_idx %arg9[%add3A_121, %xor3A_193] : memref<224x64xi32, #tpu.memory_space<vmem>>[vector<16xi32>, vector<16xi32>], vector<16xi32>,
        %bitcast3A_196 = vector.bitcast %gather3A_194 : vector<16xi32> to vector<32xbf16>
        %bitcast3A_197 = vector.bitcast %gather3A_195 : vector<16xi32> to vector<32xbf16>
        %mul3A_198 = arith.mulf %bitcast3A_196, %bitcast3A_197 : vector<32xbf16>
        %add3A_199 = arith.addf %add3A_183, %mul3A_198 : vector<32xbf16>
        %xor3A_200 = vector.broadcast %mul3A_139 : i32 to vector<16xi32>
        %xor3A_201 = arith.xori %xor3A_38, %xor3A_200 : vector<16xi32>
        %gather3A_202 = tpu.vector_load_idx %arg8[%add3A_121, %xor3A_201] : memref<224x64xi32, #tpu.memory_space<vmem>>[vector<16xi32>, vector<16xi32>], vector<16xi32>,
        %gather3A_203 = tpu.vector_load_idx %arg9[%add3A_121, %xor3A_201] : memref<224x64xi32, #tpu.memory_space<vmem>>[vector<16xi32>, vector<16xi32>], vector<16xi32>,
        %bitcast3A_204 = vector.bitcast %gather3A_202 : vector<16xi32> to vector<32xbf16>
        %bitcast3A_205 = vector.bitcast %gather3A_203 : vector<16xi32> to vector<32xbf16>
        %mul3A_206 = arith.mulf %bitcast3A_204, %bitcast3A_205 : vector<32xbf16>
        %add3A_207 = arith.addf %add3A_191, %mul3A_206 : vector<32xbf16>
        %xor3A_208 = vector.broadcast %mul3A_139 : i32 to vector<16xi32>
        %xor3A_209 = arith.xori %xor3A_41, %xor3A_208 : vector<16xi32>
        %gather3A_210 = tpu.vector_load_idx %arg8[%add3A_121, %xor3A_209] : memref<224x64xi32, #tpu.memory_space<vmem>>[vector<16xi32>, vector<16xi32>], vector<16xi32>,
        %gather3A_211 = tpu.vector_load_idx %arg9[%add3A_121, %xor3A_209] : memref<224x64xi32, #tpu.memory_space<vmem>>[vector<16xi32>, vector<16xi32>], vector<16xi32>,
        %bitcast3A_212 = vector.bitcast %gather3A_210 : vector<16xi32> to vector<32xbf16>
        %bitcast3A_213 = vector.bitcast %gather3A_211 : vector<16xi32> to vector<32xbf16>
        %mul3A_214 = arith.mulf %bitcast3A_212, %bitcast3A_213 : vector<32xbf16>
        %add3A_215 = arith.addf %add3A_199, %mul3A_214 : vector<32xbf16>
        %xor3A_216 = vector.broadcast %mul3A_139 : i32 to vector<16xi32>
        %xor3A_217 = arith.xori %xor3A_44, %xor3A_216 : vector<16xi32>
        %gather3A_218 = tpu.vector_load_idx %arg8[%add3A_121, %xor3A_217] : memref<224x64xi32, #tpu.memory_space<vmem>>[vector<16xi32>, vector<16xi32>], vector<16xi32>,
        %gather3A_219 = tpu.vector_load_idx %arg9[%add3A_121, %xor3A_217] : memref<224x64xi32, #tpu.memory_space<vmem>>[vector<16xi32>, vector<16xi32>], vector<16xi32>,
        %bitcast3A_220 = vector.bitcast %gather3A_218 : vector<16xi32> to vector<32xbf16>
        %bitcast3A_221 = vector.bitcast %gather3A_219 : vector<16xi32> to vector<32xbf16>
        %mul3A_222 = arith.mulf %bitcast3A_220, %bitcast3A_221 : vector<32xbf16>
        %add3A_223 = arith.addf %add3A_207, %mul3A_222 : vector<32xbf16>
        %xor3A_224 = vector.broadcast %mul3A_139 : i32 to vector<16xi32>
        %xor3A_225 = arith.xori %xor3A_47, %xor3A_224 : vector<16xi32>
        %gather3A_226 = tpu.vector_load_idx %arg8[%add3A_121, %xor3A_225] : memref<224x64xi32, #tpu.memory_space<vmem>>[vector<16xi32>, vector<16xi32>], vector<16xi32>,
        %gather3A_227 = tpu.vector_load_idx %arg9[%add3A_121, %xor3A_225] : memref<224x64xi32, #tpu.memory_space<vmem>>[vector<16xi32>, vector<16xi32>], vector<16xi32>,
        %bitcast3A_228 = vector.bitcast %gather3A_226 : vector<16xi32> to vector<32xbf16>
        %bitcast3A_229 = vector.bitcast %gather3A_227 : vector<16xi32> to vector<32xbf16>
        %mul3A_230 = arith.mulf %bitcast3A_228, %bitcast3A_229 : vector<32xbf16>
        %add3A_231 = arith.addf %add3A_215, %mul3A_230 : vector<32xbf16>
        %xor3A_232 = vector.broadcast %mul3A_139 : i32 to vector<16xi32>
        %xor3A_233 = arith.xori %xor3A_50, %xor3A_232 : vector<16xi32>
        %gather3A_234 = tpu.vector_load_idx %arg8[%add3A_121, %xor3A_233] : memref<224x64xi32, #tpu.memory_space<vmem>>[vector<16xi32>, vector<16xi32>], vector<16xi32>,
        %gather3A_235 = tpu.vector_load_idx %arg9[%add3A_121, %xor3A_233] : memref<224x64xi32, #tpu.memory_space<vmem>>[vector<16xi32>, vector<16xi32>], vector<16xi32>,
        %bitcast3A_236 = vector.bitcast %gather3A_234 : vector<16xi32> to vector<32xbf16>
        %bitcast3A_237 = vector.bitcast %gather3A_235 : vector<16xi32> to vector<32xbf16>
        %mul3A_238 = arith.mulf %bitcast3A_236, %bitcast3A_237 : vector<32xbf16>
        %add3A_239 = arith.addf %add3A_223, %mul3A_238 : vector<32xbf16>
        %xor3A_240 = vector.broadcast %mul3A_139 : i32 to vector<16xi32>
        %xor3A_241 = arith.xori %xor3A_53, %xor3A_240 : vector<16xi32>
        %gather3A_242 = tpu.vector_load_idx %arg8[%add3A_121, %xor3A_241] : memref<224x64xi32, #tpu.memory_space<vmem>>[vector<16xi32>, vector<16xi32>], vector<16xi32>,
        %gather3A_243 = tpu.vector_load_idx %arg9[%add3A_121, %xor3A_241] : memref<224x64xi32, #tpu.memory_space<vmem>>[vector<16xi32>, vector<16xi32>], vector<16xi32>,
        %bitcast3A_244 = vector.bitcast %gather3A_242 : vector<16xi32> to vector<32xbf16>
        %bitcast3A_245 = vector.bitcast %gather3A_243 : vector<16xi32> to vector<32xbf16>
        %mul3A_246 = arith.mulf %bitcast3A_244, %bitcast3A_245 : vector<32xbf16>
        %add3A_247 = arith.addf %add3A_231, %mul3A_246 : vector<32xbf16>
        %xor3A_248 = vector.broadcast %mul3A_139 : i32 to vector<16xi32>
        %xor3A_249 = arith.xori %xor3A_56, %xor3A_248 : vector<16xi32>
        %gather3A_250 = tpu.vector_load_idx %arg8[%add3A_121, %xor3A_249] : memref<224x64xi32, #tpu.memory_space<vmem>>[vector<16xi32>, vector<16xi32>], vector<16xi32>,
        %gather3A_251 = tpu.vector_load_idx %arg9[%add3A_121, %xor3A_249] : memref<224x64xi32, #tpu.memory_space<vmem>>[vector<16xi32>, vector<16xi32>], vector<16xi32>,
        %bitcast3A_252 = vector.bitcast %gather3A_250 : vector<16xi32> to vector<32xbf16>
        %bitcast3A_253 = vector.bitcast %gather3A_251 : vector<16xi32> to vector<32xbf16>
        %mul3A_254 = arith.mulf %bitcast3A_252, %bitcast3A_253 : vector<32xbf16>
        %add3A_255 = arith.addf %add3A_239, %mul3A_254 : vector<32xbf16>
        %xor3A_256 = vector.broadcast %mul3A_139 : i32 to vector<16xi32>
        %xor3A_257 = arith.xori %xor3A_59, %xor3A_256 : vector<16xi32>
        %gather3A_258 = tpu.vector_load_idx %arg8[%add3A_121, %xor3A_257] : memref<224x64xi32, #tpu.memory_space<vmem>>[vector<16xi32>, vector<16xi32>], vector<16xi32>,
        %gather3A_259 = tpu.vector_load_idx %arg9[%add3A_121, %xor3A_257] : memref<224x64xi32, #tpu.memory_space<vmem>>[vector<16xi32>, vector<16xi32>], vector<16xi32>,
        %bitcast3A_260 = vector.bitcast %gather3A_258 : vector<16xi32> to vector<32xbf16>
        %bitcast3A_261 = vector.bitcast %gather3A_259 : vector<16xi32> to vector<32xbf16>
        %mul3A_262 = arith.mulf %bitcast3A_260, %bitcast3A_261 : vector<32xbf16>
        %add3A_263 = arith.addf %add3A_247, %mul3A_262 : vector<32xbf16>
        %add3A_264 = arith.addf %add3A_255, %add3A_263 : vector<32xbf16>
        %unpack3A = tpu.unpack_subelements %add3A_264, 0 {pack_format = #tpu.pack_format<interleaved>} : vector<32xbf16> -> vector<16xf32>
        %unpack3A_265 = tpu.unpack_subelements %add3A_264, 1 {pack_format = #tpu.pack_format<interleaved>} : vector<32xbf16> -> vector<16xf32>
        %add3A_266 = arith.addf %scan3A_136, %unpack3A : vector<16xf32>
        %add3A_267 = arith.addf %scan3A_137, %unpack3A_265 : vector<16xf32>
        scf.yield %add3A_266, %add3A_267 : vector<16xf32>, vector<16xf32>
      }
      %scan3A_128 = arith.constant 4 : i32
      %add3A_129 = arith.addf %scan3A_127#0, %scan3A_127#1 : vector<16xf32>
      %mul3A_130 = arith.constant 16 : i32
      %mul3A_131 = arith.muli %scan3A_117, %mul3A_130 : i32
      %add3A_132 = arith.constant 9856 : i32
      %add3A_133 = arith.addi %add3A_132, %mul3A_131 : i32
      %swap3A = arith.index_cast %add3A_133 : i32 to index
      %swap3A_134 = tpu.vector_load %arg12[%swap3A] {strides = array<i32>} : memref<10000xf32, #tpu.memory_space<vmem>>, vector<16xf32>,
      tpu.vector_store %arg12[%swap3A], %add3A_129 {strides = array<i32>} : memref<10000xf32, #tpu.memory_space<vmem>>, vector<16xf32>,
    }
    %scan3A_108 = arith.constant 9 : i32
    %dma_wait3A_109 = arith.constant 0 : i32
    %dma_wait3A_110 = tpu.memref_slice %arg12[%dma_wait3A_109] : memref<10000xf32, #tpu.memory_space<vmem>> -> memref<9856xf32, #tpu.memory_space<vmem>>
    %dma_wait3A_111 = tpu.memref_slice %arg5[%mul3A_2] : memref<320000xf32, #tpu.memory_space<hbm>> -> memref<9856xf32, #tpu.memory_space<hbm>>
    %dma_wait3A_112 = tpu.memref_slice %arg5[%mul3A_2] : memref<320000xf32, #tpu.memory_space<hbm>> -> memref<9856xf32, #tpu.memory_space<hbm>>
    %dma_wait3A_113 = arith.constant 0 : i32
    %dma_wait3A_114 = tpu.memref_slice %arg12[%dma_wait3A_113] : memref<10000xf32, #tpu.memory_space<vmem>> -> memref<9856xf32, #tpu.memory_space<vmem>>
    tpu.wait_dma2 semaphore(%arg16 : memref<!tpu.dma_semaphore, #tpu.memory_space<semaphore_mem>>) src(%dma_wait3A_114 : memref<9856xf32, #tpu.memory_space<vmem>>) dst(%dma_wait3A_112 : memref<9856xf32, #tpu.memory_space<hbm>>)
    %add3A_115 = arith.constant 9856 : i32
    %add3A_116 = arith.addi %mul3A_2, %add3A_115 : i32
    "tpu.region"() ({
      %run_scoped3A = tpu.sem_alloc : memref<!tpu.dma_semaphore, #tpu.memory_space<semaphore_mem>>
      %dma_start3A_117 = arith.constant 9856 : i32
      %dma_start3A_118 = tpu.memref_slice %arg12[%dma_start3A_117] : memref<10000xf32, #tpu.memory_space<vmem>> -> memref<144xf32, #tpu.memory_space<vmem>>
      %dma_start3A_119 = tpu.memref_slice %arg5[%add3A_116] : memref<320000xf32, #tpu.memory_space<hbm>> -> memref<144xf32, #tpu.memory_space<hbm>>
      %dma_start3A_120 = tpu.memref_slice %arg5[%add3A_116] : memref<320000xf32, #tpu.memory_space<hbm>> -> memref<144xf32, #tpu.memory_space<hbm>>
      %dma_start3A_121 = arith.constant 9856 : i32
      %dma_start3A_122 = tpu.memref_slice %arg12[%dma_start3A_121] : memref<10000xf32, #tpu.memory_space<vmem>> -> memref<144xf32, #tpu.memory_space<vmem>>
      tpu.enqueue_dma source(%dma_start3A_122 : memref<144xf32, #tpu.memory_space<vmem>>) target(%dma_start3A_120 : memref<144xf32, #tpu.memory_space<hbm>>) target_semaphore(%run_scoped3A : memref<!tpu.dma_semaphore, #tpu.memory_space<semaphore_mem>>)
      %dma_wait3A_123 = arith.constant 9856 : i32
      %dma_wait3A_124 = tpu.memref_slice %arg12[%dma_wait3A_123] : memref<10000xf32, #tpu.memory_space<vmem>> -> memref<144xf32, #tpu.memory_space<vmem>>
      %dma_wait3A_125 = tpu.memref_slice %arg5[%add3A_116] : memref<320000xf32, #tpu.memory_space<hbm>> -> memref<144xf32, #tpu.memory_space<hbm>>
      %dma_wait3A_126 = tpu.memref_slice %arg5[%add3A_116] : memref<320000xf32, #tpu.memory_space<hbm>> -> memref<144xf32, #tpu.memory_space<hbm>>
      %dma_wait3A_127 = arith.constant 9856 : i32
      %dma_wait3A_128 = tpu.memref_slice %arg12[%dma_wait3A_127] : memref<10000xf32, #tpu.memory_space<vmem>> -> memref<144xf32, #tpu.memory_space<vmem>>
      tpu.wait_dma2 semaphore(%run_scoped3A : memref<!tpu.dma_semaphore, #tpu.memory_space<semaphore_mem>>) src(%dma_wait3A_128 : memref<144xf32, #tpu.memory_space<vmem>>) dst(%dma_wait3A_126 : memref<144xf32, #tpu.memory_space<hbm>>)
      tpu.yield
    }) : () -> ()
    return
  }
}

</mosaic_0001>

<sc_bundles>
// kernel: kernel.3.cloned.1.call-start
scs
__scs_entry_jumppad:
0x0: {  	(pc) =	sbr.rel $0x88, $3  }
0x1: {  	(tag) =	ssettag $0x0;
	lr =	simm.s32 $0x1  }
0x2: {  	[smem:$0x3F9F] =	sst lr;
	_ =	strace $0xD0000000  }
0x3: {  	_ = 	snop  }
0x4: {  	_ = 	snop  }
0x5: {  	_ = 	snop  }
0x6: {  	_ = 	snop  }
0x7: {  	_ = 	snop  }
__scs_overlays_trampoline_lowered:
0x8: {  	[smem:$0x3FAE] =	sst s0  }
0x9: {  	[smem:$0x3FAF] =	sst s1  }
0xa: {  	[smem:$0x3FB0] =	sst s2  }
0xb: {  	[smem:$0x3FB1] =	sst s3  }
0xc: {  	[smem:$0x3FB2] =	sst s4  }
0xd: {  	[smem:$0x3FB3] =	sst s5  }
0xe: {  	[smem:$0x3FB4] =	sst s6  }
0xf: {  	[smem:$0x3FB5] =	sst s7  }
0x10: {  	[smem:$0x3FB6] =	sst s8  }
0x11: {  	[smem:$0x3FB7] =	sst s9;
	s0 =	simm.s32 @!p0 $0x0  }
0x12: {  	s1 =	sld [smem:$0x3F9D];
	s0 =	simm.s32 @p0 $0x1  }
0x13: {  	[smem:$0x3FB8] =	sst s0;
	s0 =	simm.s32 @!p1 $0x0  }
0x14: {  	s2 =	sld [smem:$0x3F9C];
	s0 =	simm.s32 @p1 $0x1  }
0x15: {  	[smem:$0x3FB9] =	sst s0;
	s0 =	simm.s32 @!p2 $0x0  }
0x16: {  	s3 =	sld [smem:$0x3FDB];
	s0 =	simm.s32 @p2 $0x1  }
0x17: {  	s4 =	simm.s32 $0x1BF5;
	[smem:$0x3FBB] =	sst s0  }
0x18: {  	s0 =	sld [smem:$0x3F9E];
	_ =	swait.ge [sflag:s4], $0x0  }
0x19: {  	s7 =	sld [smem:$0x3F9F]  }
0x1a: {  	s8 =	sadd.s32 $0xFFFFE003, lr  }
0x1b: {  	s9 =	sadd.s32 $0xFFFFFEF7, lr;
	s5 =	simm.s32 $0xFFFFFFFF;
	p2 =	slt.u32 s8, $0xFFFFF086  }
0x1c: {  	p1 =	slt.u32 s9, $0xF7A;
	s5 =	simm.s32 @!p2 $0x0  }
0x1d: {  	s5 =	simm.s32 @p1 $0x1;
	p0 =	seq.s32 s7, s2  }
0x1e: {  	s7 =	smul.u32 @!p0 $0xF7A, s2;
	p2 =	seq.s32 @!p0 s5, $0x0  }
0x1f: {  	s9 =	smul.u32 $0xF7A, s1;
	s8 =	simm.s32 @!p0 $0x1BF5;
	p2 =	por !p2, p0  }
0x20: {  	[sflag:s8] =	ssyncset.s32 @!p0 $0xFFFFF086;
	s6 =	sadd.s32 @!p0 s3, s7;
	s7 =	simm.s32 @!p0 $0x108  }
0x21: {  	s3 =	sadd.s32 s3, s9;
	s6 =	sadd.s32 @!p0 $0x88, s6;
	s7 =	simm.s32 @p2 $0x1082  }
0x22: {  	[simem:s7], [sflag:s8] =	dma.local @!p0 [hbm:s6], $0xF7A  }
0x23: {  	s9 =	sor.u32 $0xD0000000, s2;
	s6 =	simm.s32 $0x108;
	_ =	swait.ge @!p0 [sflag:s8], $0x0  }
0x24: {  	s3 =	sadd.s32 $0x88, s3;
	s6 =	simm.s32 @!p1 $0x1082;
	[sflag:s4] =	ssyncset.s32 $0xFFFFF086  }
0x25: {  	[simem:s6], [sflag:s4] =	dma.local [hbm:s3], $0xF7A  }
0x26: {  	[smem:$0x3F9F] =	sst s1;
	(tag) =	ssettag s2;
	_ =	strace s9  }
0x27: {  	s1 =	sld [smem:$0x3FAF]  }
0x28: {  	s2 =	sld [smem:$0x3FB0]  }
0x29: {  	s4 =	sld [smem:$0x3FB2]  }
0x2a: {  	p0 =	seq.s32 s5, $0x0;
	s5 =	sld [smem:$0x3FB3]  }
0x2b: {  	s6 =	sld [smem:$0x3FB4]  }
0x2c: {  	s7 =	sld [smem:$0x3FB5]  }
0x2d: {  	s3 =	simm.s32 $0x108;
	s8 =	sld [smem:$0x3FB6]  }
0x2e: {  	s3 =	simm.s32 @!p0 $0x1082;
	s9 =	sld [smem:$0x3FB7]  }
0x2f: {  	lr =	sadd.s32 s0, s3;
	s0 =	sld [smem:$0x3FAE]  }
0x30: {  	s3 =	sld [smem:$0x3FB1]  }
0x31: {  	[smem:$0x3FBA] =	sst s10  }
0x32: {  	s10 =	sld [smem:$0x3FB8];
	_ =	sdelay $0x3  }
0x33: {  	p0 =	seq.s32 s10, $0x1;
	s10 =	sld [smem:$0x3FBA];
	_ =	sdelay $0x3  }
0x34: {  	[smem:$0x3FBA] =	sst s10  }
0x35: {  	s10 =	sld [smem:$0x3FB9];
	_ =	sdelay $0x3  }
0x36: {  	p1 =	seq.s32 s10, $0x1;
	s10 =	sld [smem:$0x3FBA];
	_ =	sdelay $0x3  }
0x37: {  	[smem:$0x3FBA] =	sst s10  }
0x38: {  	s10 =	sld [smem:$0x3FBB]  }
0x39: {  	_ = 	snop;
	(pc) =	sbr.ind lr, $3  }
0x3a: {  	_ = 	snop  }
0x3b: {  	_ = 	snop  }
0x3c: {  	p2 =	seq.s32 s10, $0x1;
	s10 =	sld [smem:$0x3FBA]  }
0x3d: {  	_ =	shalt  }
0x3e: {  	_ =	shalt  }
0x3f: {  	_ =	shalt  }
0x40: {  	_ =	shalt  }
0x41: {  	_ =	shalt  }
0x42: {  	_ =	shalt  }
0x43: {  	_ =	shalt  }
0x44: {  	_ =	shalt  }
0x45: {  	_ =	shalt  }
0x46: {  	_ =	shalt  }
0x47: {  	_ =	shalt  }
0x48: {  	_ =	shalt  }
0x49: {  	_ =	shalt  }
0x4a: {  	_ =	shalt  }
0x4b: {  	_ =	shalt  }
0x4c: {  	_ =	shalt  }
0x4d: {  	_ =	shalt  }
0x4e: {  	_ =	shalt  }
0x4f: {  	_ =	shalt  }
0x50: {  	_ =	shalt  }
0x51: {  	_ =	shalt  }
0x52: {  	_ =	shalt  }
0x53: {  	_ =	shalt  }
0x54: {  	_ =	shalt  }
0x55: {  	_ =	shalt  }
0x56: {  	_ =	shalt  }
0x57: {  	_ =	shalt  }
0x58: {  	_ =	shalt  }
0x59: {  	_ =	shalt  }
0x5a: {  	_ =	shalt  }
0x5b: {  	_ =	shalt  }
0x5c: {  	_ =	shalt  }
0x5d: {  	_ =	shalt  }
0x5e: {  	_ =	shalt  }
0x5f: {  	_ =	shalt  }
0x60: {  	_ =	shalt  }
0x61: {  	_ =	shalt  }
0x62: {  	_ =	shalt  }
0x63: {  	_ =	shalt  }
0x64: {  	_ =	shalt  }
0x65: {  	_ =	shalt  }
0x66: {  	_ =	shalt  }
0x67: {  	_ =	shalt  }
0x68: {  	_ =	shalt  }
0x69: {  	_ =	shalt  }
0x6a: {  	_ =	shalt  }
0x6b: {  	_ =	shalt  }
0x6c: {  	_ =	shalt  }
0x6d: {  	_ =	shalt  }
0x6e: {  	_ =	shalt  }
0x6f: {  	_ =	shalt  }
0x70: {  	_ =	shalt  }
0x71: {  	_ =	shalt  }
0x72: {  	_ =	shalt  }
0x73: {  	_ =	shalt  }
0x74: {  	_ =	shalt  }
0x75: {  	_ =	shalt  }
0x76: {  	_ =	shalt  }
0x77: {  	_ =	shalt  }
0x78: {  	_ =	shalt  }
0x79: {  	_ =	shalt  }
0x7a: {  	_ =	shalt  }
0x7b: {  	_ =	shalt  }
0x7c: {  	_ =	shalt  }
0x7d: {  	_ =	shalt  }
0x7e: {  	_ =	shalt  }
0x7f: {  	_ =	shalt  }
0x80: {  	_ =	shalt  }
0x81: {  	_ =	shalt  }
0x82: {  	_ =	shalt  }
0x83: {  	_ =	shalt  }
0x84: {  	_ =	shalt  }
0x85: {  	_ =	shalt  }
0x86: {  	_ =	shalt  }
0x87: {  	_ =	shalt  }
.Lfunc_end0:
.L_simem_size_0:
called_computation_lowered:
.L_overlay_start_0:
0x88: {  	s2 =	sld [smem:$0x3FD9]  }
0x89: {  	s3 =	sld [smem:$0x3FFE];
	_ =	sdelay $0x1  }
0x8a: {  	s1 =	srdreg.scid  }
0x8b: {  	s0 =	sand.u32 $0x1, s1  }
0x8c: {  	s17 =	sshll.u32 s0, $0xA;
	s2 =	sadd.s32 s3, s2  }
0x8d: {  	s2 =	sadd.s32 s2, s17  }
0x8e: {  	[smem:$0x3FC6] =	sst s2  }
0x8f: {  	_ = 	snop  }
0x90: {  	s2 =	sld [smem:$0x3FD0];
	(tm) =	ssettm $0x1  }
0x91: {  	s18 =	sld [smem:$0x3FFB];
	_ =	sdelay $0x3  }
0x92: {  	_ =	strace s18  }
0x93: {  	s3 =	sld [smem:$0x3FFC];
	_ =	sdelay $0x3  }
0x94: {  	_ =	strace s3  }
0x95: {  	s3 =	sld [smem:$0x3FFD];
	_ =	sdelay $0x3  }
0x96: {  	_ =	strace s3  }
0x97: {  	_ =	strace $0x8FFFFFFF  }
0x98: {  	s19 =	sld [smem:$0x3FDB];
	_ =	sdelay $0x1  }
0x99: {  	s4 =	simm.s32 $_scs_section_size  }
0x9a: {  	s5 =	simm.s32 $_size__tile_overlayer_lowered;
	s6 =	simm.s32 $_tile_overlayer_lowered  }
0x9b: {  	s22 =	simm.s32 $0x1BFF;
	s21 =	sshll.u32 s6, $0x1;
	s3 =	sadd.s32 s4, s19  }
0x9c: {  	s7 =	simm.s32 $0x0;
	s20 =	sshll.u32 s5, $0x1;
	s5 =	sadd.s32 s21, s3  }
0x9d: {  	[timem:s7], [sflag:s22] =	dma.local [hbm:s5], s20  }
0x9e: {  	_ =	swait.ge [sflag:s22], s20  }
0x9f: {  	s4 =	ssub.s32 $0x0, s20;
	[sflag:s22] =	ssyncset.done $0x0  }
0xa0: {  	[sflag:s22] =	ssyncadd.s32 s4;
	_ =	sdelay $0x1  }
0xa1: {  	s23 =	simm.s32 $0x1B8B  }
0xa2: {  	_ =	swait.ge [sflag:s23], $0x1  }
0xa3: {  	[sflag:s23] =	ssyncset.done $0x0  }
0xa4: {  	s25 =	simm.s32 $0x1B8E;
	s24 =	sld [smem:$0x3FFE];
	[sflag:s23] =	ssyncadd.s32 $0xFFFFFFFF  }
0xa5: {  	s26 =	simm.s32 $execute0_lowered;
	[smem:$0x3FD2] =	sst s25  }
0xa6: {  	s5 =	sshll.u32 s26, $0x1;
	_ =	strace $0x80000046;
	[dreg:$0x1] =	wrdreg $0xFFFFFFFF  }
0xa7: {  	s28 =	simm.s32 $_size_execute0_lowered;
	s3 =	sadd.s32 s3, s5;
	[dreg:$0x0] =	wrdreg $0x0  }
0xa8: {  	s5 =	sshll.u32 s28, $0x1;
	[dreg:$0x2] =	wrdreg s3  }
0xa9: {  	[dreg:$0x3] =	wrdreg s5  }
0xaa: {  	[dreg:$0x4] =	wrdreg $0xC0  }
0xab: {  	_ =	task [dreg:s7], $0x5FFFF  }
0xac: {  	[dreg:$0x1] =	wrdreg $0xFFFFFFFF  }
0xad: {  	[dreg:$0x0] =	wrdreg $0x60  }
0xae: {  	[dreg:$0x2] =	wrdreg s24  }
0xaf: {  	[dreg:$0x3] =	wrdreg s2  }
0xb0: {  	[dreg:$0x4] =	wrdreg $0x155300  }
0xb1: {  	[dreg:$0x5] =	wrdreg $0x9  }
0xb2: {  	_ =	task.clear_ibuf [dreg:s7], $0x6FFFF;
	_ =	strace $0x90000046  }
0xb3: {  	s29 =	simm.s32 $0x9;
	_ =	strace $0x80000048  }
0xb4: {  	_ =	swait.ge [sflag:s29], $0x1  }
0xb5: {  	[sflag:s29] =	ssyncadd.s32 $0xFFFFFFFF  }
0xb6: {  	_ =	strace $0x90000048  }
0xb7: {  	_ =	sfence  }
0xb8: {  	s30 =	sld [smem:$0x0];
	_ =	sdelay $0x2  }
0xb9: {  	s31 =	sshll.u32 s1, $0xD;
	s1 =	sshrl.u32 s1, $0x2  }
0xba: {  	s3 =	sand.u32 $0x4000, s31;
	s1 =	sadd.s32 s1, s30  }
0xbb: {  	s0 =	sor.u32 s3, s0;
	s1 =	sshll.u32 s1, $0x11  }
0xbc: {  	s0 =	sor.u32 s1, s0  }
0xbd: {  	s0 =	sadd.s32 $0x8F2B, s0  }
0xbe: {  	[sflag:s0] =	ssyncadd.remote.s32 $0x1  }
0xbf: {  	_ =	sfence.sel $0xFFFF  }
0xc0: {  	[dreg:$0x0] =	wrdreg $0xFFFFFFFF;
	(pc) =	sbr.abs _section_cstart, $3  }
0xc1: {  	[dreg:$0x1] =	wrdreg $0xFFFFFFFF  }
0xc2: {  	_ =	task.clear_ibuf [dreg:s7], $0x2FFFF;
	_ =	strace $0x9FFFFFFF  }
0xc3: {  	(tm) =	ssettm $0x7FFFFFFF  }
tec
execute0_lowered:
.L_overlay_start_1:
0x0: {  	(tag) =	ssettag $0x1  }
0x1: {  	s1 =	srdreg.scid;
	s6 =	rddreg [dreg:$0x0]  }
0x2: {  	s0 =	stileid.u32;
	s7 =	rddreg [dreg:$0x1]  }
0x3: {  	s11 =	simm.s32 $0x2710;
	s13 =	simm.s32 $0x5;
	s14 =	simm.s32 $0x1  }
0x4: {  	s15 =	simm.s32 $0x2;
	s16 =	simm.s32 $0xE0;
	s17 =	simm.s32 $0x4E20  }
0x5: {  	s18 =	simm.s32 $0x8620;
	s19 =	simm.s32 $0xBE20;
	s20 =	simm.s32 $0xF620  }
0x6: {  	v4 =	vimm.s32 $0x67452301;
	s21 =	simm.s32 $0x3;
	s22 =	simm.s32 $0x4;
	s23 =	simm.s32 $0x12E20  }
0x7: {  	v5 =	vimm.s32 $0x54761032;
	v6 =	vimm.s32 $0x45670123;
	s24 =	simm.s32 $0x154A0;
	s25 =	simm.s32 $0x0;
	s1 =	sand.u32 $0x1, s1  }
0x8: {  	v3 =	vlaneseq.u32;
	v7 =	vimm.s32 $0x32107654;
	v8 =	vimm.s32 $0x23016745;
	s2 =	sshll.u32 s0, $0x1;
	s9 =	smul.u32 $0x9C40, s0;
	s31 =	sshll.u32 s0, $0x6  }
0x9: {  	v9 =	vimm.s32 $0x10325476;
	v1 =	vshrl.u32 v3, $0x3;
	v0 =	vmul.u32 $0x40, v3;
	s3 =	sor.u32 s1, s2;
	s2 =	rddreg [dreg:$0x2];
	s1 =	ssub.s32 $0x2, s1  }
0xa: {  	v4 =	vunpack.c.l.s4.s8 v4;
	v3 =	vand.u32 $0x7, v3;
	v5 =	vunpack.c.l.s4.s8 v5;
	s4 =	smul.u32 $0x2710, s3;
	s3 =	simm.s32 $0x0;
	s30 =	sshrl.u32 s1, $0x1  }
0xb: {  	v6 =	vunpack.c.l.s4.s8 v6;
	v7 =	vunpack.c.l.s4.s8 v7;
	v8 =	vunpack.c.l.s4.s8 v8;
	s12 =	sadd.s32 s9, s2;
	s9 =	sshrl.u32 s9, $0x3;
	[smem:$0x7FF] =	sst s3  }
0xc: {  	v9 =	vunpack.c.l.s4.s8 v9;
	v2 =	vmul.u32 $0xFFFFFFF8, v1;
	v1 =	vmul.u32 $0x8, v1;
	s1 =	ssub.s32 s1, s30;
	s12 =	sshrl.u32 s12, $0x3;
	s8 =	sshrl.u32 s4, $0x3  }
0xd: {  	v10 =	vmul.u32 $0xFFFFFFFF, v3;
	v4 =	vunpack.c.0.s8.s32 v4;
	v5 =	vunpack.c.0.s8.s32 v5;
	_ =	strace $0x80000047;
	s10 =	smax.u32 s1, $0x1;
	s5 =	sadd.s32 s8, s6  }
0xe: {  	v6 =	vunpack.c.0.s8.s32 v6;
	v7 =	vunpack.c.0.s8.s32 v7;
	v8 =	vunpack.c.0.s8.s32 v8;
	s6 =	sadd.s32 s6, s9;
	s7 =	sadd.s32 s7, s8;
	s8 =	sor.u32 $0x1C05, s31  }
0xf: {  	v9 =	vunpack.c.0.s8.s32 v9;
	v2 =	vadd.s32 $0x8, v2;
	v10 =	vadd.s32 $0x7, v10;
	s4 =	sadd.s32 $0x1D800, s5;
	s5 =	sadd.s32 $0x13A00, s5;
	s9 =	sadd.s32 $0x4D0, s7  }
.LBB2_1:
0x10: {  	[tilespmem:s3], [sflag:$0x1] =	stream.linear.gather [hbm4b:s4+s3], $0x2710, $0x38;
	[tilespmem:$0x1F170] =	vst v63  }
0x11: {  	_ = 	snop  }
0x12: {  	[tilespmem:s11], [sflag:$0x2] =	stream.linear.gather [hbm4b:s5+s3], $0x2710, $0x38;
	[tilespmem:$0x1F170] =	vst v63  }
0x13: {  	[spmem:s12], [sflag:s8] =	dma.local [hbm:s6], $0x1388  }
0x14: {  	_ =	swait.ge [sflag:s13], $0x1388  }
0x15: {  	[sflag:s13] =	ssyncset.done $0x0  }
0x16: {  	[sflag:s13] =	ssyncadd.s32 $0xFFFFEC78  }
0x17: {  	_ =	swait.ge [sflag:s14], $0x2710  }
0x18: {  	[sflag:s14] =	ssyncset.done $0x0  }
0x19: {  	[sflag:s14] =	ssyncadd.s32 $0xFFFFD8F0  }
0x1a: {  	_ =	swait.ge [sflag:s15], $0x2710  }
0x1b: {  	[sflag:s15] =	ssyncset.done $0x0  }
0x1c: {  	[sflag:s15] =	ssyncadd.s32 $0xFFFFD8F0  }
0x1d: {  	[bflag:$0x0] =	sbarrier.arrive $0xFFFF  }
0x1e: {  	[tilespmem:s17], [sflag:$0x1] =	stream.indirect.gather [spmem:s2], $0x40, s3, s16, $0xb8;
	[tilespmem:$0x1F170] =	vst v63  }
0x1f: {  	s26 =	simm.s32 $0x0  }
0x20: {  	[tilespmem:s18], [sflag:$0x2] =	stream.indirect.gather [spmem:s2], $0x40, s11, s16, $0xb8;
	[tilespmem:$0x1F170] =	vst v63  }
.LBB2_2:
0x21: {  	s1 =	smul.u32 $0x1C0, s26;
	_ =	sdelay $0x1  }
0x22: {  	s28 =	sadd.s32 $0xE0, s1  }
0x23: {  	[tilespmem:s19], [sflag:$0x3] =	stream.indirect.gather [spmem:s2], $0x40, s28, s16, $0xb8;
	[tilespmem:$0x1F170] =	vst v63  }
0x24: {  	s1 =	sadd.s32 $0x27F0, s1  }
0x25: {  	[tilespmem:s20], [sflag:$0x4] =	stream.indirect.gather [spmem:s2], $0x40, s1, s16, $0xb8;
	[tilespmem:$0x1F170] =	vst v63  }
0x26: {  	_ =	swait.ge [sflag:s14], $0x3800  }
0x27: {  	s31 =	smul.u32 $0x700, s26;
	[sflag:s14] =	ssyncset.done $0x0  }
0x28: {  	[sflag:s14] =	ssyncadd.s32 $0xFFFFC800  }
0x29: {  	s1 =	sshra.s32 s31, $0x2;
	_ =	swait.ge [sflag:s15], $0x3800  }
0x2a: {  	s1 =	sadd.s32 $0x12E20, s1;
	[sflag:s15] =	ssyncset.done $0x0  }
0x2b: {  	s29 =	simm.s32 $0x0;
	s30 =	simm.s32 $0x0;
	v11 =	vmov s1;
	[sflag:s15] =	ssyncadd.s32 $0xFFFFC800  }
.LBB2_3:
0x2c: {  	s31 =	sshll.u32 s30, $0x4  }
0x2d: {  	v12 =	vmov s31  }
0x2e: {  	v12 =	vshll.u32 v12, $0x6  }
0x2f: {  	v13 =	vor.u32 v0, v12  }
0x30: {  	v21 =	vor.u32 v2, v13  }
0x31: {  	v18 =	vor.u32 s29, v21  }
0x32: {  	v14 =	vor.u32 v9, v18;
	_ =	sdelay $0x1  }
0x33: {  	v15 =	vor.u32 v7, v18;
	_ =	sdelay $0x1  }
0x34: {  	v16 =	vor.u32 v5, v18  }
0x35: {  	v12 =	vld.idx.msk [tilespmem:v14+s17+$0x0], $0xffff  }
0x36: {  	v22 =	vor.u32 v1, v13;
	v13 =	vor.u32 v3, v18;
	v17 =	vld.idx.msk [tilespmem:v14+s18+$0x0], $0xffff  }
0x37: {  	v27 =	vor.u32 s29, v22;
	v14 =	vld.idx.msk [tilespmem:v15+s17+$0x0], $0xffff  }
0x38: {  	v26 =	vor.u32 v9, v27;
	v15 =	vld.idx.msk [tilespmem:v15+s18+$0x0], $0xffff  }
0x39: {  	v19 =	vld.idx.msk [tilespmem:v16+s17+$0x0], $0xffff  }
0x3a: {  	v29 =	vor.u32 v7, v27;
	v20 =	vld.idx.msk [tilespmem:v16+s18+$0x0], $0xffff  }
0x3b: {  	v23 =	vld.idx.msk [tilespmem:v13+s17+$0x0], $0xffff  }
0x3c: {  	v16 =	vor.u32 v3, v27;
	v24 =	vld.idx.msk [tilespmem:v13+s18+$0x0], $0xffff  }
0x3d: {  	v25 =	vld.idx.msk [tilespmem:v26+s17+$0x0], $0xffff  }
0x3e: {  	v32 =	vor.u32 v4, v27;
	v26 =	vld.idx.msk [tilespmem:v26+s18+$0x0], $0xffff  }
0x3f: {  	v28 =	vld.idx.msk [tilespmem:v29+s17+$0x0], $0xffff  }
0x40: {  	v33 =	vor.u32 v5, v27;
	v29 =	vld.idx.msk [tilespmem:v29+s18+$0x0], $0xffff  }
0x41: {  	v30 =	vld.idx.msk [tilespmem:v16+s17+$0x0], $0xffff  }
0x42: {  	s1 =	simm.s32 $0x10;
	v34 =	vor.u32 v6, v27;
	v13 =	vimm.f32 $0.0e+00;
	v31 =	vld.idx.msk [tilespmem:v16+s18+$0x0], $0xffff;
	v16 =	vimm.f32 $0.0e+00  }
.LBB2_4:
0x43: {  	p0 =	sne.s32 s1, $0x30;
	v35 =	vld.idx.msk [tilespmem:v32+s17+$0x0], $0xffff  }
0x44: {  	v36 =	vor.u32 v8, v27;
	v32 =	vld.idx.msk [tilespmem:v32+s18+$0x0], $0xffff  }
0x45: {  	v37 =	vld.idx.msk [tilespmem:v33+s17+$0x0], $0xffff  }
0x46: {  	v27 =	vor.u32 v10, v27;
	v33 =	vld.idx.msk [tilespmem:v33+s18+$0x0], $0xffff  }
0x47: {  	v38 =	vld.idx.msk [tilespmem:v34+s17+$0x0], $0xffff  }
0x48: {  	v39 =	vor.u32 v4, v18;
	v34 =	vld.idx.msk [tilespmem:v34+s18+$0x0], $0xffff  }
0x49: {  	v40 =	vld.idx.msk [tilespmem:v36+s17+$0x0], $0xffff  }
0x4a: {  	v41 =	vor.u32 v6, v18;
	v36 =	vld.idx.msk [tilespmem:v36+s18+$0x0], $0xffff  }
0x4b: {  	v42 =	vld.idx.msk [tilespmem:v27+s17+$0x0], $0xffff  }
0x4c: {  	v43 =	vor.u32 v8, v18;
	v27 =	vld.idx.msk [tilespmem:v27+s18+$0x0], $0xffff  }
0x4d: {  	v44 =	vor.u32 s1, v21;
	v30 =	vmul.bf16 v31, v30;
	v31 =	vmul.bf16 v32, v35;
	v32 =	vld.idx.msk [tilespmem:v39+s17+$0x0], $0xffff  }
0x4e: {  	v33 =	vmul.bf16 v33, v37;
	v37 =	vor.u32 v10, v18;
	v34 =	vmul.bf16 v34, v38;
	v35 =	vld.idx.msk [tilespmem:v39+s18+$0x0], $0xffff  }
0x4f: {  	v28 =	vmul.bf16 v29, v28;
	v18 =	vmov v44;
	v38 =	vor.u32 v9, v44;
	v29 =	vld.idx.msk [tilespmem:v41+s17+$0x0], $0xffff  }
0x50: {  	v30 =	vadd.bf16 v33, v30;
	v31 =	vadd.bf16 v34, v31;
	v33 =	vmul.bf16 v36, v40;
	v34 =	vld.idx.msk [tilespmem:v41+s18+$0x0], $0xffff  }
0x51: {  	v25 =	vmul.bf16 v26, v25;
	v36 =	vor.u32 v7, v18;
	v26 =	vld.idx.msk [tilespmem:v43+s17+$0x0], $0xffff  }
0x52: {  	v28 =	vadd.bf16 v28, v30;
	v30 =	vadd.bf16 v33, v31;
	v27 =	vmul.bf16 v27, v42;
	v31 =	vld.idx.msk [tilespmem:v43+s18+$0x0], $0xffff  }
0x53: {  	v23 =	vmul.bf16 v24, v23;
	v33 =	vor.u32 v5, v18;
	v24 =	vld.idx.msk [tilespmem:v37+s17+$0x0], $0xffff  }
0x54: {  	v25 =	vadd.bf16 v25, v28;
	v28 =	vadd.bf16 v27, v30;
	v30 =	vmul.bf16 v35, v32;
	v32 =	vld.idx.msk [tilespmem:v37+s18+$0x0], $0xffff  }
0x55: {  	v19 =	vmul.bf16 v20, v19;
	v27 =	vor.u32 s1, v22;
	v35 =	vor.u32 v3, v18;
	v37 =	vld.idx.msk [tilespmem:v38+s17+$0x0], $0xffff  }
0x56: {  	v20 =	vadd.bf16 v23, v25;
	v23 =	vadd.bf16 v30, v28;
	v25 =	vmul.bf16 v34, v29;
	v38 =	vld.idx.msk [tilespmem:v38+s18+$0x0], $0xffff  }
0x57: {  	v28 =	vor.u32 v9, v27;
	v29 =	vmul.bf16 v15, v14;
	v14 =	vld.idx.msk [tilespmem:v36+s17+$0x0], $0xffff  }
0x58: {  	v30 =	vadd.bf16 v19, v20;
	v23 =	vadd.bf16 v25, v23;
	v25 =	vmul.bf16 v31, v26;
	v15 =	vld.idx.msk [tilespmem:v36+s18+$0x0], $0xffff  }
0x59: {  	v17 =	vmul.bf16 v17, v12;
	v31 =	vor.u32 v7, v27;
	v19 =	vld.idx.msk [tilespmem:v33+s17+$0x0], $0xffff  }
0x5a: {  	v26 =	vadd.bf16 v29, v30;
	v25 =	vadd.bf16 v25, v23;
	v29 =	vmul.bf16 v32, v24;
	v20 =	vld.idx.msk [tilespmem:v33+s18+$0x0], $0xffff  }
0x5b: {  	v12 =	vmov v37;
	v23 =	vld.idx.msk [tilespmem:v35+s17+$0x0], $0xffff  }
0x5c: {  	v34 =	vor.u32 v3, v27;
	v30 =	vadd.bf16 v17, v26;
	v29 =	vadd.bf16 v29, v25;
	v24 =	vld.idx.msk [tilespmem:v35+s18+$0x0], $0xffff  }
0x5d: {  	v17 =	vmov v38;
	v25 =	vld.idx.msk [tilespmem:v28+s17+$0x0], $0xffff  }
.Ltmp0:
0x5e: {  	v32 =	vor.u32 v4, v27;
	v30 =	vadd.bf16 v29, v30;
	v26 =	vld.idx.msk [tilespmem:v28+s18+$0x0], $0xffff;
	(pc) =	sbr.rel @p0 .LBB2_4-.Ltmp0, $4  }
0x5f: {  	v28 =	vld.idx.msk [tilespmem:v31+s17+$0x0], $0xffff  }
0x60: {  	v33 =	vor.u32 v5, v27;
	v35 =	vunpack.i.l.bf16.f32 v30;
	v29 =	vld.idx.msk [tilespmem:v31+s18+$0x0], $0xffff;
	v31 =	vunpack.i.u.bf16.f32 v30  }
0x61: {  	v13 =	vadd.f32 v35, v13;
	v30 =	vld.idx.msk [tilespmem:v34+s17+$0x0], $0xffff;
	v16 =	vadd.f32 v31, v16  }
0x62: {  	s1 =	sadd.s32 $0x10, s1;
	v31 =	vld.idx.msk [tilespmem:v34+s18+$0x0], $0xffff;
	v34 =	vor.u32 v6, v27  }
0x63: {  	_ =	sdelay $0x3  }
0x64: {  	v21 =	vld.idx.msk [tilespmem:v32+s17+$0x0], $0xffff  }
0x65: {  	v22 =	vld.idx.msk [tilespmem:v32+s18+$0x0], $0xffff;
	v60 =	vor.u32 v8, v27  }
0x66: {  	v35 =	vld.idx.msk [tilespmem:v33+s17+$0x0], $0xffff  }
0x67: {  	v61 =	vld.idx.msk [tilespmem:v33+s18+$0x0], $0xffff;
	v62 =	vor.u32 v10, v27  }
0x68: {  	v36 =	vld.idx.msk [tilespmem:v34+s17+$0x0], $0xffff  }
0x69: {  	v63 =	vld.idx.msk [tilespmem:v34+s18+$0x0], $0xffff;
	v37 =	vor.u32 v4, v18  }
0x6a: {  	v38 =	vld.idx.msk [tilespmem:v60+s17+$0x0], $0xffff  }
0x6b: {  	v39 =	vor.u32 v6, v18;
	v32 =	vld.idx.msk [tilespmem:v60+s18+$0x0], $0xffff  }
0x6c: {  	v40 =	vld.idx.msk [tilespmem:v62+s17+$0x0], $0xffff  }
0x6d: {  	v41 =	vor.u32 v8, v18;
	v30 =	vmul.bf16 v31, v30;
	v27 =	vld.idx.msk [tilespmem:v62+s18+$0x0], $0xffff;
	v21 =	vmul.bf16 v22, v21  }
0x6e: {  	v44 =	vld.idx.msk [tilespmem:v37+s17+$0x0], $0xffff;
	v45 =	vmul.bf16 v61, v35;
	v46 =	vmul.bf16 v63, v36  }
0x6f: {  	v48 =	vor.u32 v10, v18;
	v28 =	vmul.bf16 v29, v28;
	v47 =	vld.idx.msk [tilespmem:v37+s18+$0x0], $0xffff  }
0x70: {  	v49 =	vld.idx.msk [tilespmem:v39+s17+$0x0], $0xffff;
	v30 =	vadd.bf16 v45, v30;
	v21 =	vadd.bf16 v46, v21;
	v50 =	vmul.bf16 v32, v38  }
0x71: {  	v25 =	vmul.bf16 v26, v25;
	v51 =	vld.idx.msk [tilespmem:v39+s18+$0x0], $0xffff  }
0x72: {  	v52 =	vld.idx.msk [tilespmem:v41+s17+$0x0], $0xffff;
	v28 =	vadd.bf16 v28, v30;
	v27 =	vmul.bf16 v27, v40;
	v21 =	vadd.bf16 v50, v21  }
0x73: {  	v23 =	vmul.bf16 v24, v23;
	v53 =	vld.idx.msk [tilespmem:v41+s18+$0x0], $0xffff  }
0x74: {  	v54 =	vld.idx.msk [tilespmem:v48+s17+$0x0], $0xffff;
	v22 =	vmul.bf16 v47, v44;
	v25 =	vadd.bf16 v25, v28;
	v21 =	vadd.bf16 v27, v21  }
0x75: {  	v19 =	vmul.bf16 v20, v19;
	v18 =	vld.idx.msk [tilespmem:v48+s18+$0x0], $0xffff  }
0x76: {  	v56 =	vmul.bf16 v51, v49;
	v55 =	vadd.bf16 v23, v25;
	v21 =	vadd.bf16 v22, v21  }
0x77: {  	v14 =	vmul.bf16 v15, v14  }
0x78: {  	v59 =	vmul.bf16 v53, v52;
	v57 =	vadd.bf16 v19, v55;
	v58 =	vadd.bf16 v56, v21  }
0x79: {  	v12 =	vmul.bf16 v17, v12  }
0x7a: {  	v61 =	vmul.bf16 v18, v54;
	v14 =	vadd.bf16 v14, v57;
	v60 =	vadd.bf16 v59, v58;
	_ =	sdelay $0x1  }
0x7b: {  	v12 =	vadd.bf16 v12, v14;
	v62 =	vadd.bf16 v61, v60;
	_ =	sdelay $0x1  }
0x7c: {  	v12 =	vadd.bf16 v62, v12  }
0x7d: {  	s30 =	sadd.s32 $0x1, s30  }
0x7e: {  	p0 =	sne.s32 s30, $0xE;
	v14 =	vunpack.i.u.bf16.f32 v12;
	v12 =	vunpack.i.l.bf16.f32 v12  }
.Ltmp1:
0x7f: {  	v12 =	vadd.f32 v12, v13;
	v63 =	vadd.f32 v14, v16;
	(pc) =	sbr.rel @p0 .LBB2_3-.Ltmp1, $3  }
0x80: {  	_ = 	snop  }
0x81: {  	v12 =	vadd.f32 v63, v12;
	_ =	sdelay $0x1  }
0x82: {  	[tilespmem:v11+s31+$0x0 ss:$0x1] =	vst.idx.msk $0xffff, v12  }
0x83: {  	s1 =	sshll.u32 s26, $0x1  }
0x84: {  	p0 =	seq.s32 s26, $0x15;
	s1 =	sadd.s32 $0x2, s1  }
0x85: {  	s29 =	smul.u32 @!p0 $0xE0, s1  }
0x86: {  	s30 =	simm.s32 @!p0 $0xE0;
	s31 =	simm.s32 @!p0 $0x4E20  }
0x87: {  	[tilespmem:s31], [sflag:$0x1] =	stream.indirect.gather @!p0 [spmem:s2], $0x40, s29, s30, $0xb8;
	[tilespmem:$0x1F170] =	vst v63  }
0x88: {  	s29 =	sadd.s32 @!p0 $0x2710, s29;
	s31 =	simm.s32 @!p0 $0x8620  }
0x89: {  	[tilespmem:s31], [sflag:$0x2] =	stream.indirect.gather @!p0 [spmem:s2], $0x40, s29, s30, $0xb8;
	[tilespmem:$0x1F170] =	vst v63  }
0x8a: {  	p0 =	sne.s32 s1, $0x2C  }
0x8b: {  	s1 =	simm.s32 @!p0 $0x90;
	s29 =	simm.s32 @!p0 $0x2680;
	s30 =	simm.s32 @!p0 $0x4E20  }
0x8c: {  	[tilespmem:s30], [sflag:$0x1] =	stream.indirect.gather @!p0 [spmem:s2], $0x40, s29, s1, $0xb8;
	[tilespmem:$0x1F170] =	vst v63  }
0x8d: {  	s29 =	simm.s32 @!p0 $0x4D90;
	s30 =	simm.s32 @!p0 $0x8620  }
0x8e: {  	[tilespmem:s30], [sflag:$0x2] =	stream.indirect.gather @!p0 [spmem:s2], $0x40, s29, s1, $0xb8;
	[tilespmem:$0x1F170] =	vst v63  }
0x8f: {  	_ =	swait.ge [sflag:s21], $0x3800  }
0x90: {  	[sflag:s21] =	ssyncset.done $0x0  }
0x91: {  	[sflag:s21] =	ssyncadd.s32 $0xFFFFC800  }
0x92: {  	_ =	swait.ge [sflag:s22], $0x3800  }
0x93: {  	s31 =	sadd.s32 $0x12E20, s28;
	[sflag:s22] =	ssyncset.done $0x0  }
0x94: {  	s28 =	simm.s32 $0x0;
	v11 =	vmov s31;
	s29 =	simm.s32 $0x0;
	[sflag:s22] =	ssyncadd.s32 $0xFFFFC800  }
.LBB2_7:
0x95: {  	s30 =	sshll.u32 s29, $0x4  }
0x96: {  	v12 =	vmov s30  }
0x97: {  	v12 =	vshll.u32 v12, $0x6  }
0x98: {  	v13 =	vor.u32 v0, v12  }
0x99: {  	v21 =	vor.u32 v2, v13  }
0x9a: {  	v18 =	vor.u32 s28, v21  }
0x9b: {  	v14 =	vor.u32 v9, v18;
	_ =	sdelay $0x1  }
0x9c: {  	v15 =	vor.u32 v7, v18;
	_ =	sdelay $0x1  }
0x9d: {  	v16 =	vor.u32 v5, v18  }
0x9e: {  	v12 =	vld.idx.msk [tilespmem:v14+s19+$0x0], $0xffff  }
0x9f: {  	v22 =	vor.u32 v1, v13;
	v13 =	vor.u32 v3, v18;
	v17 =	vld.idx.msk [tilespmem:v14+s20+$0x0], $0xffff  }
0xa0: {  	v27 =	vor.u32 s28, v22;
	v14 =	vld.idx.msk [tilespmem:v15+s19+$0x0], $0xffff  }
0xa1: {  	v26 =	vor.u32 v9, v27;
	v15 =	vld.idx.msk [tilespmem:v15+s20+$0x0], $0xffff  }
0xa2: {  	v19 =	vld.idx.msk [tilespmem:v16+s19+$0x0], $0xffff  }
0xa3: {  	v29 =	vor.u32 v7, v27;
	v20 =	vld.idx.msk [tilespmem:v16+s20+$0x0], $0xffff  }
0xa4: {  	v23 =	vld.idx.msk [tilespmem:v13+s19+$0x0], $0xffff  }
0xa5: {  	v16 =	vor.u32 v3, v27;
	v24 =	vld.idx.msk [tilespmem:v13+s20+$0x0], $0xffff  }
0xa6: {  	v25 =	vld.idx.msk [tilespmem:v26+s19+$0x0], $0xffff  }
0xa7: {  	v32 =	vor.u32 v4, v27;
	v26 =	vld.idx.msk [tilespmem:v26+s20+$0x0], $0xffff  }
0xa8: {  	v28 =	vld.idx.msk [tilespmem:v29+s19+$0x0], $0xffff  }
0xa9: {  	v33 =	vor.u32 v5, v27;
	v29 =	vld.idx.msk [tilespmem:v29+s20+$0x0], $0xffff  }
0xaa: {  	v30 =	vld.idx.msk [tilespmem:v16+s19+$0x0], $0xffff  }
0xab: {  	s1 =	simm.s32 $0x10;
	v34 =	vor.u32 v6, v27;
	v13 =	vimm.f32 $0.0e+00;
	v31 =	vld.idx.msk [tilespmem:v16+s20+$0x0], $0xffff;
	v16 =	vimm.f32 $0.0e+00  }
.LBB2_8:
0xac: {  	p0 =	sne.s32 s1, $0x30;
	v35 =	vld.idx.msk [tilespmem:v32+s19+$0x0], $0xffff  }
0xad: {  	v36 =	vor.u32 v8, v27;
	v32 =	vld.idx.msk [tilespmem:v32+s20+$0x0], $0xffff  }
0xae: {  	v37 =	vld.idx.msk [tilespmem:v33+s19+$0x0], $0xffff  }
0xaf: {  	v27 =	vor.u32 v10, v27;
	v33 =	vld.idx.msk [tilespmem:v33+s20+$0x0], $0xffff  }
0xb0: {  	v38 =	vld.idx.msk [tilespmem:v34+s19+$0x0], $0xffff  }
0xb1: {  	v39 =	vor.u32 v4, v18;
	v34 =	vld.idx.msk [tilespmem:v34+s20+$0x0], $0xffff  }
0xb2: {  	v40 =	vld.idx.msk [tilespmem:v36+s19+$0x0], $0xffff  }
0xb3: {  	v41 =	vor.u32 v6, v18;
	v36 =	vld.idx.msk [tilespmem:v36+s20+$0x0], $0xffff  }
0xb4: {  	v42 =	vld.idx.msk [tilespmem:v27+s19+$0x0], $0xffff  }
0xb5: {  	v43 =	vor.u32 v8, v18;
	v27 =	vld.idx.msk [tilespmem:v27+s20+$0x0], $0xffff  }
0xb6: {  	v44 =	vor.u32 s1, v21;
	v30 =	vmul.bf16 v31, v30;
	v31 =	vmul.bf16 v32, v35;
	v32 =	vld.idx.msk [tilespmem:v39+s19+$0x0], $0xffff  }
0xb7: {  	v33 =	vmul.bf16 v33, v37;
	v37 =	vor.u32 v10, v18;
	v34 =	vmul.bf16 v34, v38;
	v35 =	vld.idx.msk [tilespmem:v39+s20+$0x0], $0xffff  }
0xb8: {  	v28 =	vmul.bf16 v29, v28;
	v18 =	vmov v44;
	v38 =	vor.u32 v9, v44;
	v29 =	vld.idx.msk [tilespmem:v41+s19+$0x0], $0xffff  }
0xb9: {  	v30 =	vadd.bf16 v33, v30;
	v31 =	vadd.bf16 v34, v31;
	v33 =	vmul.bf16 v36, v40;
	v34 =	vld.idx.msk [tilespmem:v41+s20+$0x0], $0xffff  }
0xba: {  	v25 =	vmul.bf16 v26, v25;
	v36 =	vor.u32 v7, v18;
	v26 =	vld.idx.msk [tilespmem:v43+s19+$0x0], $0xffff  }
0xbb: {  	v28 =	vadd.bf16 v28, v30;
	v30 =	vadd.bf16 v33, v31;
	v27 =	vmul.bf16 v27, v42;
	v31 =	vld.idx.msk [tilespmem:v43+s20+$0x0], $0xffff  }
0xbc: {  	v23 =	vmul.bf16 v24, v23;
	v33 =	vor.u32 v5, v18;
	v24 =	vld.idx.msk [tilespmem:v37+s19+$0x0], $0xffff  }
0xbd: {  	v25 =	vadd.bf16 v25, v28;
	v28 =	vadd.bf16 v27, v30;
	v30 =	vmul.bf16 v35, v32;
	v32 =	vld.idx.msk [tilespmem:v37+s20+$0x0], $0xffff  }
0xbe: {  	v19 =	vmul.bf16 v20, v19;
	v27 =	vor.u32 s1, v22;
	v35 =	vor.u32 v3, v18;
	v37 =	vld.idx.msk [tilespmem:v38+s19+$0x0], $0xffff  }
0xbf: {  	v20 =	vadd.bf16 v23, v25;
	v23 =	vadd.bf16 v30, v28;
	v25 =	vmul.bf16 v34, v29;
	v38 =	vld.idx.msk [tilespmem:v38+s20+$0x0], $0xffff  }
0xc0: {  	v28 =	vor.u32 v9, v27;
	v29 =	vmul.bf16 v15, v14;
	v14 =	vld.idx.msk [tilespmem:v36+s19+$0x0], $0xffff  }
0xc1: {  	v30 =	vadd.bf16 v19, v20;
	v23 =	vadd.bf16 v25, v23;
	v25 =	vmul.bf16 v31, v26;
	v15 =	vld.idx.msk [tilespmem:v36+s20+$0x0], $0xffff  }
0xc2: {  	v17 =	vmul.bf16 v17, v12;
	v31 =	vor.u32 v7, v27;
	v19 =	vld.idx.msk [tilespmem:v33+s19+$0x0], $0xffff  }
0xc3: {  	v26 =	vadd.bf16 v29, v30;
	v25 =	vadd.bf16 v25, v23;
	v29 =	vmul.bf16 v32, v24;
	v20 =	vld.idx.msk [tilespmem:v33+s20+$0x0], $0xffff  }
0xc4: {  	v12 =	vmov v37;
	v23 =	vld.idx.msk [tilespmem:v35+s19+$0x0], $0xffff  }
0xc5: {  	v34 =	vor.u32 v3, v27;
	v30 =	vadd.bf16 v17, v26;
	v29 =	vadd.bf16 v29, v25;
	v24 =	vld.idx.msk [tilespmem:v35+s20+$0x0], $0xffff  }
0xc6: {  	v17 =	vmov v38;
	v25 =	vld.idx.msk [tilespmem:v28+s19+$0x0], $0xffff  }
.Ltmp2:
0xc7: {  	v32 =	vor.u32 v4, v27;
	v30 =	vadd.bf16 v29, v30;
	v26 =	vld.idx.msk [tilespmem:v28+s20+$0x0], $0xffff;
	(pc) =	sbr.rel @p0 .LBB2_8-.Ltmp2, $4  }
0xc8: {  	v28 =	vld.idx.msk [tilespmem:v31+s19+$0x0], $0xffff  }
0xc9: {  	v33 =	vor.u32 v5, v27;
	v35 =	vunpack.i.l.bf16.f32 v30;
	v29 =	vld.idx.msk [tilespmem:v31+s20+$0x0], $0xffff;
	v31 =	vunpack.i.u.bf16.f32 v30  }
0xca: {  	v13 =	vadd.f32 v35, v13;
	v30 =	vld.idx.msk [tilespmem:v34+s19+$0x0], $0xffff;
	v16 =	vadd.f32 v31, v16  }
0xcb: {  	s1 =	sadd.s32 $0x10, s1;
	v31 =	vld.idx.msk [tilespmem:v34+s20+$0x0], $0xffff;
	v34 =	vor.u32 v6, v27  }
0xcc: {  	_ =	sdelay $0x3  }
0xcd: {  	v21 =	vld.idx.msk [tilespmem:v32+s19+$0x0], $0xffff  }
0xce: {  	v22 =	vld.idx.msk [tilespmem:v32+s20+$0x0], $0xffff;
	v60 =	vor.u32 v8, v27  }
0xcf: {  	v35 =	vld.idx.msk [tilespmem:v33+s19+$0x0], $0xffff  }
0xd0: {  	v61 =	vld.idx.msk [tilespmem:v33+s20+$0x0], $0xffff;
	v62 =	vor.u32 v10, v27  }
0xd1: {  	v36 =	vld.idx.msk [tilespmem:v34+s19+$0x0], $0xffff  }
0xd2: {  	v63 =	vld.idx.msk [tilespmem:v34+s20+$0x0], $0xffff;
	v37 =	vor.u32 v4, v18  }
0xd3: {  	v38 =	vld.idx.msk [tilespmem:v60+s19+$0x0], $0xffff  }
0xd4: {  	v39 =	vor.u32 v6, v18;
	v32 =	vld.idx.msk [tilespmem:v60+s20+$0x0], $0xffff  }
0xd5: {  	v40 =	vld.idx.msk [tilespmem:v62+s19+$0x0], $0xffff  }
0xd6: {  	v41 =	vor.u32 v8, v18;
	v30 =	vmul.bf16 v31, v30;
	v27 =	vld.idx.msk [tilespmem:v62+s20+$0x0], $0xffff;
	v21 =	vmul.bf16 v22, v21  }
0xd7: {  	v44 =	vld.idx.msk [tilespmem:v37+s19+$0x0], $0xffff;
	v45 =	vmul.bf16 v61, v35;
	v46 =	vmul.bf16 v63, v36  }
0xd8: {  	v48 =	vor.u32 v10, v18;
	v28 =	vmul.bf16 v29, v28;
	v47 =	vld.idx.msk [tilespmem:v37+s20+$0x0], $0xffff  }
0xd9: {  	v49 =	vld.idx.msk [tilespmem:v39+s19+$0x0], $0xffff;
	v30 =	vadd.bf16 v45, v30;
	v21 =	vadd.bf16 v46, v21;
	v50 =	vmul.bf16 v32, v38  }
0xda: {  	v25 =	vmul.bf16 v26, v25;
	v51 =	vld.idx.msk [tilespmem:v39+s20+$0x0], $0xffff  }
0xdb: {  	v52 =	vld.idx.msk [tilespmem:v41+s19+$0x0], $0xffff;
	v28 =	vadd.bf16 v28, v30;
	v27 =	vmul.bf16 v27, v40;
	v21 =	vadd.bf16 v50, v21  }
0xdc: {  	v23 =	vmul.bf16 v24, v23;
	v53 =	vld.idx.msk [tilespmem:v41+s20+$0x0], $0xffff  }
0xdd: {  	v54 =	vld.idx.msk [tilespmem:v48+s19+$0x0], $0xffff;
	v22 =	vmul.bf16 v47, v44;
	v25 =	vadd.bf16 v25, v28;
	v21 =	vadd.bf16 v27, v21  }
0xde: {  	v19 =	vmul.bf16 v20, v19;
	v18 =	vld.idx.msk [tilespmem:v48+s20+$0x0], $0xffff  }
0xdf: {  	v56 =	vmul.bf16 v51, v49;
	v55 =	vadd.bf16 v23, v25;
	v21 =	vadd.bf16 v22, v21  }
0xe0: {  	v14 =	vmul.bf16 v15, v14  }
0xe1: {  	v59 =	vmul.bf16 v53, v52;
	v57 =	vadd.bf16 v19, v55;
	v58 =	vadd.bf16 v56, v21  }
0xe2: {  	v12 =	vmul.bf16 v17, v12  }
0xe3: {  	v61 =	vmul.bf16 v18, v54;
	v14 =	vadd.bf16 v14, v57;
	v60 =	vadd.bf16 v59, v58;
	_ =	sdelay $0x1  }
0xe4: {  	v12 =	vadd.bf16 v12, v14;
	v62 =	vadd.bf16 v61, v60;
	_ =	sdelay $0x1  }
0xe5: {  	v12 =	vadd.bf16 v62, v12  }
0xe6: {  	s29 =	sadd.s32 $0x1, s29  }
0xe7: {  	p0 =	sne.s32 s29, $0xE;
	v14 =	vunpack.i.u.bf16.f32 v12;
	v12 =	vunpack.i.l.bf16.f32 v12  }
.Ltmp3:
0xe8: {  	v12 =	vadd.f32 v12, v13;
	v63 =	vadd.f32 v14, v16;
	(pc) =	sbr.rel @p0 .LBB2_7-.Ltmp3, $3  }
0xe9: {  	_ = 	snop  }
0xea: {  	v12 =	vadd.f32 v63, v12;
	_ =	sdelay $0x1  }
0xeb: {  	[tilespmem:v11+s30+$0x0 ss:$0x1] =	vst.idx.msk $0xffff, v12  }
0xec: {  	s26 =	sadd.s32 $0x1, s26  }
0xed: {  	p0 =	sne.s32 s26, $0x16  }
.Ltmp4:
0xee: {  	_ = 	snop;
	(pc) =	sbr.rel @p0 .LBB2_2-.Ltmp4, $1  }
0xef: {  	_ =	sdelay $0x3  }
0xf0: {  	s26 =	simm.s32 $0x0  }
0xf1: {  	[hbm4b:s7+s26] =	stream.linear.scatter [tilespmem:s23], [sflag:$0x3], $0x2680, $0x38;
	[tilespmem:$0x1F170] =	vst v63  }
0xf2: {  	_ =	swait.ge [sflag:s14], $0x2400  }
0xf3: {  	[sflag:s14] =	ssyncset.done $0x0  }
0xf4: {  	[sflag:s14] =	ssyncadd.s32 $0xFFFFDC00  }
0xf5: {  	_ =	swait.ge [sflag:s15], $0x2400  }
0xf6: {  	[sflag:s15] =	ssyncset.done $0x0  }
0xf7: {  	s28 =	simm.s32 $0x0;
	[sflag:s15] =	ssyncadd.s32 $0xFFFFDC00  }
.LBB2_12:
0xf8: {  	s29 =	sshll.u32 s28, $0x4  }
0xf9: {  	v11 =	vmov s29  }
0xfa: {  	v11 =	vshll.u32 v11, $0x6  }
0xfb: {  	v12 =	vor.u32 v0, v11  }
0xfc: {  	v20 =	vor.u32 v2, v12  }
0xfd: {  	v17 =	vor.u32 s26, v20  }
0xfe: {  	v13 =	vor.u32 v9, v17;
	_ =	sdelay $0x1  }
0xff: {  	v14 =	vor.u32 v7, v17;
	_ =	sdelay $0x1  }
0x100: {  	v15 =	vor.u32 v5, v17  }
0x101: {  	v11 =	vld.idx.msk [tilespmem:v13+s17+$0x0], $0xffff  }
0x102: {  	v21 =	vor.u32 v1, v12;
	v12 =	vor.u32 v3, v17;
	v16 =	vld.idx.msk [tilespmem:v13+s18+$0x0], $0xffff  }
0x103: {  	v26 =	vor.u32 s26, v21;
	v13 =	vld.idx.msk [tilespmem:v14+s17+$0x0], $0xffff  }
0x104: {  	v25 =	vor.u32 v9, v26;
	v14 =	vld.idx.msk [tilespmem:v14+s18+$0x0], $0xffff  }
0x105: {  	v18 =	vld.idx.msk [tilespmem:v15+s17+$0x0], $0xffff  }
0x106: {  	v28 =	vor.u32 v7, v26;
	v19 =	vld.idx.msk [tilespmem:v15+s18+$0x0], $0xffff  }
0x107: {  	v22 =	vld.idx.msk [tilespmem:v12+s17+$0x0], $0xffff  }
0x108: {  	v15 =	vor.u32 v3, v26;
	v23 =	vld.idx.msk [tilespmem:v12+s18+$0x0], $0xffff  }
0x109: {  	v24 =	vld.idx.msk [tilespmem:v25+s17+$0x0], $0xffff  }
0x10a: {  	v31 =	vor.u32 v4, v26;
	v25 =	vld.idx.msk [tilespmem:v25+s18+$0x0], $0xffff  }
0x10b: {  	v27 =	vld.idx.msk [tilespmem:v28+s17+$0x0], $0xffff  }
0x10c: {  	v32 =	vor.u32 v5, v26;
	v28 =	vld.idx.msk [tilespmem:v28+s18+$0x0], $0xffff  }
0x10d: {  	v29 =	vld.idx.msk [tilespmem:v15+s17+$0x0], $0xffff  }
0x10e: {  	s1 =	simm.s32 $0x10;
	v33 =	vor.u32 v6, v26;
	v12 =	vimm.f32 $0.0e+00;
	v30 =	vld.idx.msk [tilespmem:v15+s18+$0x0], $0xffff;
	v15 =	vimm.f32 $0.0e+00  }
.LBB2_13:
0x10f: {  	p0 =	sne.s32 s1, $0x30;
	v34 =	vld.idx.msk [tilespmem:v31+s17+$0x0], $0xffff  }
0x110: {  	v35 =	vor.u32 v8, v26;
	v31 =	vld.idx.msk [tilespmem:v31+s18+$0x0], $0xffff  }
0x111: {  	v36 =	vld.idx.msk [tilespmem:v32+s17+$0x0], $0xffff  }
0x112: {  	v26 =	vor.u32 v10, v26;
	v32 =	vld.idx.msk [tilespmem:v32+s18+$0x0], $0xffff  }
0x113: {  	v37 =	vld.idx.msk [tilespmem:v33+s17+$0x0], $0xffff  }
0x114: {  	v38 =	vor.u32 v4, v17;
	v33 =	vld.idx.msk [tilespmem:v33+s18+$0x0], $0xffff  }
0x115: {  	v39 =	vld.idx.msk [tilespmem:v35+s17+$0x0], $0xffff  }
0x116: {  	v40 =	vor.u32 v6, v17;
	v35 =	vld.idx.msk [tilespmem:v35+s18+$0x0], $0xffff  }
0x117: {  	v41 =	vld.idx.msk [tilespmem:v26+s17+$0x0], $0xffff  }
0x118: {  	v42 =	vor.u32 v8, v17;
	v26 =	vld.idx.msk [tilespmem:v26+s18+$0x0], $0xffff  }
0x119: {  	v43 =	vor.u32 s1, v20;
	v29 =	vmul.bf16 v30, v29;
	v30 =	vmul.bf16 v31, v34;
	v31 =	vld.idx.msk [tilespmem:v38+s17+$0x0], $0xffff  }
0x11a: {  	v32 =	vmul.bf16 v32, v36;
	v36 =	vor.u32 v10, v17;
	v33 =	vmul.bf16 v33, v37;
	v34 =	vld.idx.msk [tilespmem:v38+s18+$0x0], $0xffff  }
0x11b: {  	v27 =	vmul.bf16 v28, v27;
	v17 =	vmov v43;
	v37 =	vor.u32 v9, v43;
	v28 =	vld.idx.msk [tilespmem:v40+s17+$0x0], $0xffff  }
0x11c: {  	v29 =	vadd.bf16 v32, v29;
	v30 =	vadd.bf16 v33, v30;
	v32 =	vmul.bf16 v35, v39;
	v33 =	vld.idx.msk [tilespmem:v40+s18+$0x0], $0xffff  }
0x11d: {  	v24 =	vmul.bf16 v25, v24;
	v35 =	vor.u32 v7, v17;
	v25 =	vld.idx.msk [tilespmem:v42+s17+$0x0], $0xffff  }
0x11e: {  	v27 =	vadd.bf16 v27, v29;
	v29 =	vadd.bf16 v32, v30;
	v26 =	vmul.bf16 v26, v41;
	v30 =	vld.idx.msk [tilespmem:v42+s18+$0x0], $0xffff  }
0x11f: {  	v22 =	vmul.bf16 v23, v22;
	v32 =	vor.u32 v5, v17;
	v23 =	vld.idx.msk [tilespmem:v36+s17+$0x0], $0xffff  }
0x120: {  	v24 =	vadd.bf16 v24, v27;
	v27 =	vadd.bf16 v26, v29;
	v29 =	vmul.bf16 v34, v31;
	v31 =	vld.idx.msk [tilespmem:v36+s18+$0x0], $0xffff  }
0x121: {  	v18 =	vmul.bf16 v19, v18;
	v26 =	vor.u32 s1, v21;
	v34 =	vor.u32 v3, v17;
	v36 =	vld.idx.msk [tilespmem:v37+s17+$0x0], $0xffff  }
0x122: {  	v19 =	vadd.bf16 v22, v24;
	v22 =	vadd.bf16 v29, v27;
	v24 =	vmul.bf16 v33, v28;
	v37 =	vld.idx.msk [tilespmem:v37+s18+$0x0], $0xffff  }
0x123: {  	v27 =	vor.u32 v9, v26;
	v28 =	vmul.bf16 v14, v13;
	v13 =	vld.idx.msk [tilespmem:v35+s17+$0x0], $0xffff  }
0x124: {  	v29 =	vadd.bf16 v18, v19;
	v22 =	vadd.bf16 v24, v22;
	v24 =	vmul.bf16 v30, v25;
	v14 =	vld.idx.msk [tilespmem:v35+s18+$0x0], $0xffff  }
0x125: {  	v16 =	vmul.bf16 v16, v11;
	v30 =	vor.u32 v7, v26;
	v18 =	vld.idx.msk [tilespmem:v32+s17+$0x0], $0xffff  }
0x126: {  	v25 =	vadd.bf16 v28, v29;
	v24 =	vadd.bf16 v24, v22;
	v28 =	vmul.bf16 v31, v23;
	v19 =	vld.idx.msk [tilespmem:v32+s18+$0x0], $0xffff  }
0x127: {  	v11 =	vmov v36;
	v22 =	vld.idx.msk [tilespmem:v34+s17+$0x0], $0xffff  }
0x128: {  	v33 =	vor.u32 v3, v26;
	v29 =	vadd.bf16 v16, v25;
	v28 =	vadd.bf16 v28, v24;
	v23 =	vld.idx.msk [tilespmem:v34+s18+$0x0], $0xffff  }
0x129: {  	v16 =	vmov v37;
	v24 =	vld.idx.msk [tilespmem:v27+s17+$0x0], $0xffff  }
.Ltmp5:
0x12a: {  	v31 =	vor.u32 v4, v26;
	v29 =	vadd.bf16 v28, v29;
	v25 =	vld.idx.msk [tilespmem:v27+s18+$0x0], $0xffff;
	(pc) =	sbr.rel @p0 .LBB2_13-.Ltmp5, $4  }
0x12b: {  	v27 =	vld.idx.msk [tilespmem:v30+s17+$0x0], $0xffff  }
0x12c: {  	v32 =	vor.u32 v5, v26;
	v34 =	vunpack.i.l.bf16.f32 v29;
	v28 =	vld.idx.msk [tilespmem:v30+s18+$0x0], $0xffff;
	v30 =	vunpack.i.u.bf16.f32 v29  }
0x12d: {  	v12 =	vadd.f32 v34, v12;
	v29 =	vld.idx.msk [tilespmem:v33+s17+$0x0], $0xffff;
	v15 =	vadd.f32 v30, v15  }
0x12e: {  	s1 =	sadd.s32 $0x10, s1;
	v30 =	vld.idx.msk [tilespmem:v33+s18+$0x0], $0xffff;
	v33 =	vor.u32 v6, v26  }
0x12f: {  	_ =	sdelay $0x3  }
0x130: {  	v20 =	vld.idx.msk [tilespmem:v31+s17+$0x0], $0xffff  }
0x131: {  	v21 =	vld.idx.msk [tilespmem:v31+s18+$0x0], $0xffff;
	v60 =	vor.u32 v8, v26  }
0x132: {  	v34 =	vld.idx.msk [tilespmem:v32+s17+$0x0], $0xffff  }
0x133: {  	v61 =	vld.idx.msk [tilespmem:v32+s18+$0x0], $0xffff;
	v62 =	vor.u32 v10, v26  }
0x134: {  	v35 =	vld.idx.msk [tilespmem:v33+s17+$0x0], $0xffff  }
0x135: {  	v63 =	vld.idx.msk [tilespmem:v33+s18+$0x0], $0xffff;
	v36 =	vor.u32 v4, v17  }
0x136: {  	v37 =	vld.idx.msk [tilespmem:v60+s17+$0x0], $0xffff  }
0x137: {  	v38 =	vor.u32 v6, v17;
	v31 =	vld.idx.msk [tilespmem:v60+s18+$0x0], $0xffff  }
0x138: {  	v39 =	vld.idx.msk [tilespmem:v62+s17+$0x0], $0xffff  }
0x139: {  	v40 =	vor.u32 v8, v17;
	v29 =	vmul.bf16 v30, v29;
	v26 =	vld.idx.msk [tilespmem:v62+s18+$0x0], $0xffff;
	v20 =	vmul.bf16 v21, v20  }
0x13a: {  	v44 =	vld.idx.msk [tilespmem:v36+s17+$0x0], $0xffff;
	v45 =	vmul.bf16 v61, v34;
	v46 =	vmul.bf16 v63, v35  }
0x13b: {  	v48 =	vor.u32 v10, v17;
	v27 =	vmul.bf16 v28, v27;
	v47 =	vld.idx.msk [tilespmem:v36+s18+$0x0], $0xffff  }
0x13c: {  	v49 =	vld.idx.msk [tilespmem:v38+s17+$0x0], $0xffff;
	v29 =	vadd.bf16 v45, v29;
	v20 =	vadd.bf16 v46, v20;
	v50 =	vmul.bf16 v31, v37  }
0x13d: {  	v24 =	vmul.bf16 v25, v24;
	v51 =	vld.idx.msk [tilespmem:v38+s18+$0x0], $0xffff  }
0x13e: {  	v52 =	vld.idx.msk [tilespmem:v40+s17+$0x0], $0xffff;
	v27 =	vadd.bf16 v27, v29;
	v26 =	vmul.bf16 v26, v39;
	v20 =	vadd.bf16 v50, v20  }
0x13f: {  	v22 =	vmul.bf16 v23, v22;
	v53 =	vld.idx.msk [tilespmem:v40+s18+$0x0], $0xffff  }
0x140: {  	v54 =	vld.idx.msk [tilespmem:v48+s17+$0x0], $0xffff;
	v21 =	vmul.bf16 v47, v44;
	v24 =	vadd.bf16 v24, v27;
	v20 =	vadd.bf16 v26, v20  }
0x141: {  	v18 =	vmul.bf16 v19, v18;
	v17 =	vld.idx.msk [tilespmem:v48+s18+$0x0], $0xffff  }
0x142: {  	v56 =	vmul.bf16 v51, v49;
	v55 =	vadd.bf16 v22, v24;
	v20 =	vadd.bf16 v21, v20  }
0x143: {  	v13 =	vmul.bf16 v14, v13  }
0x144: {  	v59 =	vmul.bf16 v53, v52;
	v57 =	vadd.bf16 v18, v55;
	v58 =	vadd.bf16 v56, v20  }
0x145: {  	v11 =	vmul.bf16 v16, v11  }
0x146: {  	v61 =	vmul.bf16 v17, v54;
	v13 =	vadd.bf16 v13, v57;
	v60 =	vadd.bf16 v59, v58;
	_ =	sdelay $0x1  }
0x147: {  	v11 =	vadd.bf16 v11, v13;
	v62 =	vadd.bf16 v61, v60;
	_ =	sdelay $0x1  }
0x148: {  	v11 =	vadd.bf16 v62, v11  }
0x149: {  	s28 =	sadd.s32 $0x1, s28  }
0x14a: {  	p0 =	sne.s32 s28, $0x9;
	v13 =	vunpack.i.u.bf16.f32 v11;
	v11 =	vunpack.i.l.bf16.f32 v11  }
.Ltmp6:
0x14b: {  	v11 =	vadd.f32 v11, v12;
	v63 =	vadd.f32 v13, v15;
	(pc) =	sbr.rel @p0 .LBB2_12-.Ltmp6, $3  }
0x14c: {  	_ = 	snop  }
0x14d: {  	v11 =	vadd.f32 v63, v11;
	_ =	sdelay $0x1  }
0x14e: {  	[tilespmem:s29+$0x154A0] =	vst v11  }
0x14f: {  	_ =	swait.ge [sflag:s21], $0x2680;
	s25 =	sadd.s32 $0x1, s25  }
0x150: {  	[sflag:s21] =	ssyncset.done $0x0;
	p0 =	sne.s32 s25, s10  }
.Ltmp7:
0x151: {  	[sflag:s21] =	ssyncadd.s32 $0xFFFFD980;
	(pc) =	sbr.rel @p0 .LBB2_1-.Ltmp7, $4  }
0x152: {  	[hbm4b:s9+s3] =	stream.linear.scatter [tilespmem:s24], [sflag:$0x5], $0x90, $0x38;
	[tilespmem:$0x1F170] =	vst v63  }
0x153: {  	_ =	swait.ge [sflag:s13], $0x90  }
0x154: {  	[sflag:s13] =	ssyncset.done $0x0  }
0x155: {  	[sflag:s13] =	ssyncadd.s32 $0xFFFFFF70  }
0x156: {  	_ =	sfence.sel $0x180000  }
0x157: {  	[bflag:$0x0] =	sbarrier.arrive $0xFFFF  }
0x158: {  	_ =	strace $0x90000047  }
0x159: {  	[bflag:$0x2] =	sbarrier.arrive $0xFFFF  }
0x15a: {  	p0 =	sne.s32 s0, $0x0;
	s0 =	rddreg [dreg:$0x3]  }
0x15b: {  	s0 =	sadd.s32 @!p0 $0x100000, s0  }
0x15c: {  	[sflag:s0] =	ssyncadd.tile.s32 @!p0 $0x1;
	_ =	shalt  }
.Lfunc_end2:
_tile_overlayer_lowered:
.L_overlay_start_2:
0x15d: {  	(tag) =	ssettag $0x2  }
0x15e: {  	s0 =	rddreg [dreg:$0x0];
	s2 =	stileid.u32  }
0x15f: {  	s1 =	rddreg [dreg:$0x1];
	p0 =	sne.s32 s2, $0x0  }
0x160: {  	s3 =	rddreg [dreg:$0x2];
	[bflag:$0x3] =	sbarrier.arrive $0xFFFF;
	s2 =	simm.s32 @!p0 $0x1C05  }
0x161: {  	[timem:s3], [sflag:s2] =	dma.local @!p0 [hbm:s0], s1  }
0x162: {  	s0 =	simm.s32 @!p0 $0x5  }
0x163: {  	_ =	swait.ge @!p0 [sflag:s0], s1  }
0x164: {  	s1 =	ssub.s32 @!p0 $0x0, s1;
	[sflag:s0] =	ssyncset.done @!p0 $0x0  }
0x165: {  	[sflag:s0] =	ssyncadd.s32 @!p0 s1  }
0x166: {  	[bflag:$0x3] =	sbarrier.arrive $0xFFFF  }
0x167: {  	_ =	shalt  }

</sc_bundles>
